<compile_context>
chip_gen: v7x
topology: tpu7x:2x2x1
jax: 0.10.2.dev20260603
libtpu: 0.0.44.dev20260713+nightly
codegen_flags: <defaults>
</compile_context>

<pallas_src>
import functools

import jax
import jax.numpy as jnp
from jax.experimental import pallas as pl

F32 = jnp.float32
BF16 = jnp.bfloat16


def _ln(x, g, b):
    m = jnp.mean(x, axis=-1, keepdims=True)
    m2 = jnp.mean(x * x, axis=-1, keepdims=True)
    v = jnp.maximum(m2 - m * m, 0.0)
    s = jax.lax.rsqrt(v + 1e-5)
    return (x - m) * s * g + b


def _enc_body(x_ref, w1_ref, b1_ref, g1_ref, be1_ref,
              w2_ref, b2_ref, g2_ref, be2_ref, h_ref):
    x = x_ref[...].astype(BF16)
    h1 = jnp.dot(x, w1_ref[...], preferred_element_type=F32)
    h1 = jax.nn.relu(_ln(h1 + b1_ref[...], g1_ref[...], be1_ref[...]))
    h2 = jnp.dot(h1.astype(BF16), w2_ref[...], preferred_element_type=F32)
    h2 = jax.nn.relu(_ln(h2 + b2_ref[...], g2_ref[...], be2_ref[...]))
    h_ref[...] = h2.astype(BF16)


def _route_body(h_ref, wr_ref, br_ref, gr_ref, ber_ref,
                wm_ref, bm_ref, wv_ref, bv_ref, eps_ref,
                probs_ref, mu_ref, lv_ref, zc_ref, *, E, L):
    bt = h_ref.shape[0]
    h = h_ref[...]
    logits = jnp.dot(h, wr_ref[...], preferred_element_type=F32) + br_ref[...]
    logits = _ln(logits, gr_ref[...], ber_ref[...])
    mx = jnp.max(logits, axis=-1, keepdims=True)
    ex = jnp.exp(logits - mx)
    probs = ex / jnp.sum(ex, axis=-1, keepdims=True)
    probs_ref[...] = probs

    mu = jnp.dot(h, wm_ref[...], preferred_element_type=F32) + bm_ref[...]
    lv = jnp.dot(h, wv_ref[...], preferred_element_type=F32) + bv_ref[...]
    mu_ref[...] = mu
    lv_ref[...] = lv

    v1 = jnp.max(probs, axis=-1, keepdims=True)
    i1 = jnp.argmax(probs, axis=-1)[:, None]
    lane = jax.lax.broadcasted_iota(jnp.int32, probs.shape, 1)
    oh1 = (lane == i1).astype(F32)
    masked = jnp.where(lane == i1, -jnp.inf, probs)
    v2 = jnp.max(masked, axis=-1, keepdims=True)
    i2 = jnp.argmax(masked, axis=-1)[:, None]
    oh2 = (lane == i2).astype(F32)

    wmu = v1 * oh1 + v2 * oh2
    muw = jnp.zeros((bt, L), F32)
    lv1 = jnp.zeros((bt, L), F32)
    lv2 = jnp.zeros((bt, L), F32)
    for e in range(E):
        msl = mu[:, e * L:(e + 1) * L]
        vsl = lv[:, e * L:(e + 1) * L]
        muw = muw + wmu[:, e:e + 1] * msl
        lv1 = lv1 + oh1[:, e:e + 1] * vsl
        lv2 = lv2 + oh2[:, e:e + 1] * vsl
    e1 = eps_ref[:, 0, :]
    e2 = eps_ref[:, 1, :]
    z = muw + v1 * e1 * jnp.exp(0.5 * lv1) + v2 * e2 * jnp.exp(0.5 * lv2)
    zc_ref[...] = z.astype(BF16)


def _dec_body(zc_ref, w1_ref, b1_ref, g1_ref, be1_ref,
              w2_ref, b2_ref, g2_ref, be2_ref, wo_ref, bo_ref, r_ref):
    z = zc_ref[...]
    d1 = jnp.dot(z, w1_ref[...], preferred_element_type=F32)
    d1 = jax.nn.relu(_ln(d1 + b1_ref[...], g1_ref[...], be1_ref[...]))
    d2 = jnp.dot(d1.astype(BF16), w2_ref[...], preferred_element_type=F32)
    d2 = jax.nn.relu(_ln(d2 + b2_ref[...], g2_ref[...], be2_ref[...]))
    r = jnp.dot(d2.astype(BF16), wo_ref[...], preferred_element_type=F32)
    r_ref[...] = r + bo_ref[...]


def _full(a):
    return pl.BlockSpec(a.shape, lambda i: (0,) * a.ndim)


def _row(v):
    return v.reshape(1, -1)


def kernel(x, params, eps):
    B, D = x.shape
    E = params["Wr"].shape[1]
    L = eps.shape[2]
    K = eps.shape[1]

    enc, dec = params["enc"], params["dec"]
    w1 = enc[0]["W"].astype(BF16)
    w2 = enc[1]["W"].astype(BF16)
    wr = params["Wr"].astype(BF16)
    wm = params["Wm"].astype(BF16)
    wv = params["Wv"].astype(BF16)
    wd1 = dec[0]["W"].astype(BF16)
    wd2 = dec[1]["W"].astype(BF16)
    wo = params["Wo"].astype(BF16)
    H = w2.shape[1]
    DO = wo.shape[1]

    bt1 = 512
    h = pl.pallas_call(
        _enc_body,
        grid=(B // bt1,),
        in_specs=[
            pl.BlockSpec((bt1, D), lambda i: (i, 0)),
            _full(w1), _full(_row(enc[0]["b"])), _full(_row(enc[0]["g"])), _full(_row(enc[0]["be"])),
            _full(w2), _full(_row(enc[1]["b"])), _full(_row(enc[1]["g"])), _full(_row(enc[1]["be"])),
        ],
        out_specs=pl.BlockSpec((bt1, H), lambda i: (i, 0)),
        out_shape=jax.ShapeDtypeStruct((B, H), BF16),
    )(x, w1, _row(enc[0]["b"]), _row(enc[0]["g"]), _row(enc[0]["be"]),
      w2, _row(enc[1]["b"]), _row(enc[1]["g"]), _row(enc[1]["be"]))

    bt2 = 256
    nchunks = 2
    BC = B // nchunks
    chunks = []
    for c in range(nchunks):
        hs = jax.lax.slice_in_dim(h, c * BC, (c + 1) * BC)
        es = jax.lax.slice_in_dim(eps, c * BC, (c + 1) * BC)
        out = pl.pallas_call(
            functools.partial(_route_body, E=E, L=L),
            grid=(BC // bt2,),
            in_specs=[
                pl.BlockSpec((bt2, H), lambda i: (i, 0)),
                _full(wr), _full(_row(params["br"])), _full(_row(params["gr"])), _full(_row(params["ber"])),
                _full(wm), _full(_row(params["bm"])),
                _full(wv), _full(_row(params["bv"])),
                pl.BlockSpec((bt2, K, L), lambda i: (i, 0, 0)),
            ],
            out_specs=[
                pl.BlockSpec((bt2, E), lambda i: (i, 0)),
                pl.BlockSpec((bt2, E * L), lambda i: (i, 0)),
                pl.BlockSpec((bt2, E * L), lambda i: (i, 0)),
                pl.BlockSpec((bt2, L), lambda i: (i, 0)),
            ],
            out_shape=[
                jax.ShapeDtypeStruct((BC, E), F32),
                jax.ShapeDtypeStruct((BC, E * L), F32),
                jax.ShapeDtypeStruct((BC, E * L), F32),
                jax.ShapeDtypeStruct((BC, L), BF16),
            ],
        )(hs, wr, _row(params["br"]), _row(params["gr"]), _row(params["ber"]),
          wm, _row(params["bm"]), wv, _row(params["bv"]), es)
        chunks.append(out)
    probs = jnp.concatenate([o[0] for o in chunks], axis=0)
    mu = jnp.concatenate([o[1].reshape(BC, E, L) for o in chunks], axis=0)
    lv = jnp.concatenate([o[2].reshape(BC, E, L) for o in chunks], axis=0)
    zc = jnp.concatenate([o[3] for o in chunks], axis=0)

    bt3 = 512
    recon = pl.pallas_call(
        _dec_body,
        grid=(B // bt3,),
        in_specs=[
            pl.BlockSpec((bt3, L), lambda i: (i, 0)),
            _full(wd1), _full(_row(dec[0]["b"])), _full(_row(dec[0]["g"])), _full(_row(dec[0]["be"])),
            _full(wd2), _full(_row(dec[1]["b"])), _full(_row(dec[1]["g"])), _full(_row(dec[1]["be"])),
            _full(wo), _full(_row(params["bo"])),
        ],
        out_specs=pl.BlockSpec((bt3, DO), lambda i: (i, 0)),
        out_shape=jax.ShapeDtypeStruct((B, DO), F32),
    )(zc, wd1, _row(dec[0]["b"]), _row(dec[0]["g"]), _row(dec[0]["be"]),
      wd2, _row(dec[1]["b"]), _row(dec[1]["g"]), _row(dec[1]["be"]),
      wo, _row(params["bo"]))

    return (recon, mu, lv, probs)

# --- scband reference (transcript-rebuilt; emitter-appended) ---
"""Pipeline reference for scband-mo-evae-82420422410528 (READ-ONLY COPY).

The authoritative reference and input builder live on the scoring server;
editing this copy changes nothing except your own understanding.
"""

import jax, jax.numpy as jnp
import numpy as np

D = 1024
E = 16
TOPK = 2
L = 256
ENC = [2048, 1024]
DEC = [1024, 2048]
B = 8192


def _lin(key, din, dout):
    W = jax.random.normal(key, (din, dout), jnp.float32) * (1.0 / np.sqrt(din))
    b = jnp.zeros((dout,), jnp.float32)
    return W, b


def _ln(x, g, b):
    m = jnp.mean(x, axis=-1, keepdims=True)
    v = jnp.var(x, axis=-1, keepdims=True)
    return (x - m) / jnp.sqrt(v + 1e-5) * g + b


def setup_inputs(seed: int = 0):
    key = jax.random.key(seed)
    ks = jax.random.split(key, 32)
    enc = []
    dims = [D] + ENC
    for i in range(len(dims) - 1):
        W, b = _lin(ks[i], dims[i], dims[i + 1])
        enc.append({"W": W, "b": b, "g": jnp.ones((dims[i + 1],), jnp.float32), "be": jnp.zeros((dims[i + 1],), jnp.float32)})
    h_dim = ENC[-1]
    Wr, br = _lin(ks[4], h_dim, E)
    Wm, bm = _lin(ks[5], h_dim, E * L)
    Wv, bv = _lin(ks[6], h_dim, E * L)
    dec = []
    ddims = [L] + DEC
    for i in range(len(ddims) - 1):
        W, b = _lin(ks[7 + i], ddims[i], ddims[i + 1])
        dec.append({"W": W, "b": b, "g": jnp.ones((ddims[i + 1],), jnp.float32), "be": jnp.zeros((ddims[i + 1],), jnp.float32)})
    Wo, bo = _lin(ks[12], DEC[-1], D)
    params = {"enc": enc, "Wr": Wr, "br": br, "gr": jnp.ones((E,), jnp.float32), "ber": jnp.zeros((E,), jnp.float32), "Wm": Wm, "bm": bm, "Wv": Wv, "bv": bv, "dec": dec, "Wo": Wo, "bo": bo}
    x = jax.random.normal(ks[13], (B, D), jnp.float32)
    eps = jax.random.normal(ks[14], (B, TOPK, L), jnp.float32)
    return {"x": x, "params": params, "eps": eps}


def reference(x, params, eps):
    h = x
    for lyr in params["enc"]:
        h = jax.nn.relu(_ln(h @ lyr["W"] + lyr["b"], lyr["g"], lyr["be"]))
    logits = _ln(h @ params["Wr"] + params["br"], params["gr"], params["ber"])
    probs = jax.nn.softmax(logits, axis=-1)
    topk_vals, topk_idx = jax.lax.top_k(probs, TOPK)
    mu = (h @ params["Wm"] + params["bm"]).reshape(-1, E, L)
    logvar = (h @ params["Wv"] + params["bv"]).reshape(-1, E, L)
    mu_k = jnp.take_along_axis(mu, topk_idx[:, :, None], axis=1)
    lv_k = jnp.take_along_axis(logvar, topk_idx[:, :, None], axis=1)
    z = mu_k + eps * jnp.exp(0.5 * lv_k)
    zc = jnp.sum(z * topk_vals[:, :, None], axis=1)
    d = zc
    for lyr in params["dec"]:
        d = jax.nn.relu(_ln(d @ lyr["W"] + lyr["b"], lyr["g"], lyr["be"]))
    recon = d @ params["Wo"] + params["bo"]
    return (recon, mu, logvar, probs)

if __name__ == "__main__":
    import jax
    _d = setup_inputs()
    print(jax.jit(kernel)(*tuple(_d.values())))

</pallas_src>

<mosaic_0001>
module attributes {stable_mosaic.version = 14 : i64} {
  func.func @_enc_body(%arg0: i32, %arg1: memref<512x1024xf32, #tpu.memory_space<vmem>>, %arg2: memref<1024x2048xbf16, #tpu.memory_space<vmem>>, %arg3: memref<1x2048xf32, #tpu.memory_space<vmem>>, %arg4: memref<1x2048xf32, #tpu.memory_space<vmem>>, %arg5: memref<1x2048xf32, #tpu.memory_space<vmem>>, %arg6: memref<2048x1024xbf16, #tpu.memory_space<vmem>>, %arg7: memref<1x1024xf32, #tpu.memory_space<vmem>>, %arg8: memref<1x1024xf32, #tpu.memory_space<vmem>>, %arg9: memref<1x1024xf32, #tpu.memory_space<vmem>>, %arg10: memref<512x1024xbf16, #tpu.memory_space<vmem>>) attributes {dimension_semantics = [#tpu.dimension_semantics<arbitrary>], iteration_bounds = array<i64: 16>, scalar_prefetch = 0 : i64, scratch_operands = 0 : i64, tpu.core_type = #tpu.core_type<tc>, window_params = [{transform_indices = @transform_0, window_bounds = array<i64: 512, 1024>}, {pipeline_mode = #tpu.pipeline_mode<synchronous>, transform_indices = @transform_1, window_bounds = array<i64: 1024, 2048>}, {pipeline_mode = #tpu.pipeline_mode<synchronous>, transform_indices = @transform_2, window_bounds = array<i64: 1, 2048>}, {pipeline_mode = #tpu.pipeline_mode<synchronous>, transform_indices = @transform_3, window_bounds = array<i64: 1, 2048>}, {pipeline_mode = #tpu.pipeline_mode<synchronous>, transform_indices = @transform_4, window_bounds = array<i64: 1, 2048>}, {pipeline_mode = #tpu.pipeline_mode<synchronous>, transform_indices = @transform_5, window_bounds = array<i64: 2048, 1024>}, {pipeline_mode = #tpu.pipeline_mode<synchronous>, transform_indices = @transform_6, window_bounds = array<i64: 1, 1024>}, {pipeline_mode = #tpu.pipeline_mode<synchronous>, transform_indices = @transform_7, window_bounds = array<i64: 1, 1024>}, {pipeline_mode = #tpu.pipeline_mode<synchronous>, transform_indices = @transform_8, window_bounds = array<i64: 1, 1024>}, {transform_indices = @transform_9, window_bounds = array<i64: 512, 1024>}]} {
    %get3A = arith.constant 0 : index
    %get3A_0 = arith.constant 0 : index
    %get3A_1 = vector.load %arg1[%get3A, %get3A_0] : memref<512x1024xf32, #tpu.memory_space<vmem>>, vector<512x1024xf32>
    %convert_element_type3A = arith.truncf %get3A_1 : vector<512x1024xf32> to vector<512x1024xbf16>
    %get3A_2 = arith.constant 0 : index
    %get3A_3 = arith.constant 0 : index
    %get3A_4 = vector.load %arg2[%get3A_2, %get3A_3] : memref<1024x2048xbf16, #tpu.memory_space<vmem>>, vector<1024x2048xbf16>
    %dot_general3A = arith.constant dense<0.000000e+00> : vector<512x2048xf32>
    %dot_general3A_5 = tpu.matmul %convert_element_type3A, %get3A_4, %dot_general3A {dimension_numbers = #tpu.dot_dimension_numbers<[1], [0], [0], [1], [0, 0, 1, 1], [], []>, transpose_lhs_hint = false} : vector<512x1024xbf16>, vector<1024x2048xbf16>, vector<512x2048xf32> -> vector<512x2048xf32>
    %get3A_6 = arith.constant 0 : index
    %get3A_7 = arith.constant 0 : index
    %get3A_8 = vector.load %arg3[%get3A_6, %get3A_7] : memref<1x2048xf32, #tpu.memory_space<vmem>>, vector<1x2048xf32>
    %add3A = vector.broadcast %get3A_8 : vector<1x2048xf32> to vector<512x2048xf32>
    %add3A_9 = arith.addf %dot_general3A_5, %add3A : vector<512x2048xf32>
    %get3A_10 = arith.constant 0 : index
    %get3A_11 = arith.constant 0 : index
    %get3A_12 = vector.load %arg4[%get3A_10, %get3A_11] : memref<1x2048xf32, #tpu.memory_space<vmem>>, vector<1x2048xf32>
    %get3A_13 = arith.constant 0 : index
    %get3A_14 = arith.constant 0 : index
    %get3A_15 = vector.load %arg5[%get3A_13, %get3A_14] : memref<1x2048xf32, #tpu.memory_space<vmem>>, vector<1x2048xf32>
    %reduce_sum3A = arith.constant dense<0.000000e+00> : vector<512xf32>
    %reduce_sum3A_16 = vector.multi_reduction <add>, %add3A_9, %reduce_sum3A [1] : vector<512x2048xf32> to vector<512xf32>
    %broadcast_in_dim3A = vector.shape_cast %reduce_sum3A_16 : vector<512xf32> to vector<512x1xf32>
    %div3A = arith.constant 2.048000e+03 : f32
    %div3A_17 = vector.broadcast %div3A : f32 to vector<512x1xf32>
    %div3A_18 = arith.divf %broadcast_in_dim3A, %div3A_17 : vector<512x1xf32>
    %jit3A = arith.constant 0 : i32
    %reduce_sum3A_19 = arith.constant dense<0.000000e+00> : vector<512xf32>
    %reduce_sum3A_20 = vector.multi_reduction <add>, %add3A_9, %reduce_sum3A_19 [1] : vector<512x2048xf32> to vector<512xf32>
    %broadcast_in_dim3A_21 = vector.shape_cast %reduce_sum3A_20 : vector<512xf32> to vector<512x1xf32>
    %div3A_22 = arith.constant 2.048000e+03 : f32
    %div3A_23 = vector.broadcast %div3A_22 : f32 to vector<512x1xf32>
    %div3A_24 = arith.divf %broadcast_in_dim3A_21, %div3A_23 : vector<512x1xf32>
    %sub3A = vector.broadcast %div3A_24 : vector<512x1xf32> to vector<512x2048xf32>
    %sub3A_25 = arith.subf %add3A_9, %sub3A : vector<512x2048xf32>
    %square3A = arith.mulf %sub3A_25, %sub3A_25 : vector<512x2048xf32>
    %convert_element_type3A_26 = arith.sitofp %jit3A : i32 to f32
    %sub3A_27 = arith.constant 2.048000e+03 : f32
    %sub3A_28 = arith.subf %sub3A_27, %convert_element_type3A_26 : f32
    %reduce_sum3A_29 = arith.constant dense<0.000000e+00> : vector<512xf32>
    %reduce_sum3A_30 = vector.multi_reduction <add>, %square3A, %reduce_sum3A_29 [1] : vector<512x2048xf32> to vector<512xf32>
    %broadcast_in_dim3A_31 = vector.shape_cast %reduce_sum3A_30 : vector<512xf32> to vector<512x1xf32>
    %div3A_32 = vector.broadcast %sub3A_28 : f32 to vector<512x1xf32>
    %div3A_33 = arith.divf %broadcast_in_dim3A_31, %div3A_32 : vector<512x1xf32>
    %gt3A = arith.constant 0.000000e+00 : f32
    %gt3A_34 = arith.cmpf ogt, %sub3A_28, %gt3A : f32
    %jit3A_35 = arith.constant 0x7FC00000 : f32
    %broadcast_in_dim3A_36 = vector.broadcast %jit3A_35 : f32 to vector<512x1xf32>
    %select_n3A = arith.select %gt3A_34, %div3A_33, %broadcast_in_dim3A_36 : vector<512x1xf32>
    %sub3A_37 = vector.broadcast %div3A_18 : vector<512x1xf32> to vector<512x2048xf32>
    %sub3A_38 = arith.subf %add3A_9, %sub3A_37 : vector<512x2048xf32>
    %add3A_39 = arith.constant 9.99999974E-6 : f32
    %add3A_40 = vector.broadcast %add3A_39 : f32 to vector<512x1xf32>
    %add3A_41 = arith.addf %select_n3A, %add3A_40 : vector<512x1xf32>
    %sqrt3A = math.sqrt %add3A_41 : vector<512x1xf32>
    %div3A_42 = vector.broadcast %sqrt3A : vector<512x1xf32> to vector<512x2048xf32>
    %div3A_43 = arith.divf %sub3A_38, %div3A_42 : vector<512x2048xf32>
    %mul3A = vector.broadcast %get3A_12 : vector<1x2048xf32> to vector<512x2048xf32>
    %mul3A_44 = arith.mulf %div3A_43, %mul3A : vector<512x2048xf32>
    %add3A_45 = vector.broadcast %get3A_15 : vector<1x2048xf32> to vector<512x2048xf32>
    %add3A_46 = arith.addf %mul3A_44, %add3A_45 : vector<512x2048xf32>
    %max3A = arith.constant 0.000000e+00 : f32
    %max3A_47 = vector.broadcast %max3A : f32 to vector<512x2048xf32>
    %max3A_48 = arith.maximumf %add3A_46, %max3A_47 : vector<512x2048xf32>
    %convert_element_type3A_49 = arith.truncf %max3A_48 : vector<512x2048xf32> to vector<512x2048xbf16>
    %get3A_50 = arith.constant 0 : index
    %get3A_51 = arith.constant 0 : index
    %get3A_52 = vector.load %arg6[%get3A_50, %get3A_51] : memref<2048x1024xbf16, #tpu.memory_space<vmem>>, vector<2048x1024xbf16>
    %dot_general3A_53 = arith.constant dense<0.000000e+00> : vector<512x1024xf32>
    %dot_general3A_54 = tpu.matmul %convert_element_type3A_49, %get3A_52, %dot_general3A_53 {dimension_numbers = #tpu.dot_dimension_numbers<[1], [0], [0], [1], [0, 0, 1, 1], [], []>, transpose_lhs_hint = false} : vector<512x2048xbf16>, vector<2048x1024xbf16>, vector<512x1024xf32> -> vector<512x1024xf32>
    %get3A_55 = arith.constant 0 : index
    %get3A_56 = arith.constant 0 : index
    %get3A_57 = vector.load %arg7[%get3A_55, %get3A_56] : memref<1x1024xf32, #tpu.memory_space<vmem>>, vector<1x1024xf32>
    %add3A_58 = vector.broadcast %get3A_57 : vector<1x1024xf32> to vector<512x1024xf32>
    %add3A_59 = arith.addf %dot_general3A_54, %add3A_58 : vector<512x1024xf32>
    %get3A_60 = arith.constant 0 : index
    %get3A_61 = arith.constant 0 : index
    %get3A_62 = vector.load %arg8[%get3A_60, %get3A_61] : memref<1x1024xf32, #tpu.memory_space<vmem>>, vector<1x1024xf32>
    %get3A_63 = arith.constant 0 : index
    %get3A_64 = arith.constant 0 : index
    %get3A_65 = vector.load %arg9[%get3A_63, %get3A_64] : memref<1x1024xf32, #tpu.memory_space<vmem>>, vector<1x1024xf32>
    %reduce_sum3A_66 = arith.constant dense<0.000000e+00> : vector<512xf32>
    %reduce_sum3A_67 = vector.multi_reduction <add>, %add3A_59, %reduce_sum3A_66 [1] : vector<512x1024xf32> to vector<512xf32>
    %broadcast_in_dim3A_68 = vector.shape_cast %reduce_sum3A_67 : vector<512xf32> to vector<512x1xf32>
    %div3A_69 = arith.constant 1.024000e+03 : f32
    %div3A_70 = vector.broadcast %div3A_69 : f32 to vector<512x1xf32>
    %div3A_71 = arith.divf %broadcast_in_dim3A_68, %div3A_70 : vector<512x1xf32>
    %jit3A_72 = arith.constant 0 : i32
    %reduce_sum3A_73 = arith.constant dense<0.000000e+00> : vector<512xf32>
    %reduce_sum3A_74 = vector.multi_reduction <add>, %add3A_59, %reduce_sum3A_73 [1] : vector<512x1024xf32> to vector<512xf32>
    %broadcast_in_dim3A_75 = vector.shape_cast %reduce_sum3A_74 : vector<512xf32> to vector<512x1xf32>
    %div3A_76 = arith.constant 1.024000e+03 : f32
    %div3A_77 = vector.broadcast %div3A_76 : f32 to vector<512x1xf32>
    %div3A_78 = arith.divf %broadcast_in_dim3A_75, %div3A_77 : vector<512x1xf32>
    %sub3A_79 = vector.broadcast %div3A_78 : vector<512x1xf32> to vector<512x1024xf32>
    %sub3A_80 = arith.subf %add3A_59, %sub3A_79 : vector<512x1024xf32>
    %square3A_81 = arith.mulf %sub3A_80, %sub3A_80 : vector<512x1024xf32>
    %convert_element_type3A_82 = arith.sitofp %jit3A_72 : i32 to f32
    %sub3A_83 = arith.constant 1.024000e+03 : f32
    %sub3A_84 = arith.subf %sub3A_83, %convert_element_type3A_82 : f32
    %reduce_sum3A_85 = arith.constant dense<0.000000e+00> : vector<512xf32>
    %reduce_sum3A_86 = vector.multi_reduction <add>, %square3A_81, %reduce_sum3A_85 [1] : vector<512x1024xf32> to vector<512xf32>
    %broadcast_in_dim3A_87 = vector.shape_cast %reduce_sum3A_86 : vector<512xf32> to vector<512x1xf32>
    %div3A_88 = vector.broadcast %sub3A_84 : f32 to vector<512x1xf32>
    %div3A_89 = arith.divf %broadcast_in_dim3A_87, %div3A_88 : vector<512x1xf32>
    %gt3A_90 = arith.constant 0.000000e+00 : f32
    %gt3A_91 = arith.cmpf ogt, %sub3A_84, %gt3A_90 : f32
    %jit3A_92 = arith.constant 0x7FC00000 : f32
    %broadcast_in_dim3A_93 = vector.broadcast %jit3A_92 : f32 to vector<512x1xf32>
    %select_n3A_94 = arith.select %gt3A_91, %div3A_89, %broadcast_in_dim3A_93 : vector<512x1xf32>
    %sub3A_95 = vector.broadcast %div3A_71 : vector<512x1xf32> to vector<512x1024xf32>
    %sub3A_96 = arith.subf %add3A_59, %sub3A_95 : vector<512x1024xf32>
    %add3A_97 = arith.constant 9.99999974E-6 : f32
    %add3A_98 = vector.broadcast %add3A_97 : f32 to vector<512x1xf32>
    %add3A_99 = arith.addf %select_n3A_94, %add3A_98 : vector<512x1xf32>
    %sqrt3A_100 = math.sqrt %add3A_99 : vector<512x1xf32>
    %div3A_101 = vector.broadcast %sqrt3A_100 : vector<512x1xf32> to vector<512x1024xf32>
    %div3A_102 = arith.divf %sub3A_96, %div3A_101 : vector<512x1024xf32>
    %mul3A_103 = vector.broadcast %get3A_62 : vector<1x1024xf32> to vector<512x1024xf32>
    %mul3A_104 = arith.mulf %div3A_102, %mul3A_103 : vector<512x1024xf32>
    %add3A_105 = vector.broadcast %get3A_65 : vector<1x1024xf32> to vector<512x1024xf32>
    %add3A_106 = arith.addf %mul3A_104, %add3A_105 : vector<512x1024xf32>
    %max3A_107 = arith.constant 0.000000e+00 : f32
    %max3A_108 = vector.broadcast %max3A_107 : f32 to vector<512x1024xf32>
    %max3A_109 = arith.maximumf %add3A_106, %max3A_108 : vector<512x1024xf32>
    %convert_element_type3A_110 = arith.truncf %max3A_109 : vector<512x1024xf32> to vector<512x1024xbf16>
    %swap3A = arith.constant 0 : index
    %swap3A_111 = arith.constant 0 : index
    %swap3A_112 = vector.load %arg10[%swap3A, %swap3A_111] : memref<512x1024xbf16, #tpu.memory_space<vmem>>, vector<512x1024xbf16>
    tpu.vector_store %arg10[%swap3A, %swap3A_111], %convert_element_type3A_110 {strides = array<i32>} : memref<512x1024xbf16, #tpu.memory_space<vmem>>, vector<512x1024xbf16>,
    return
  }
  func.func @transform_0(%arg0: i32) -> (i32, i32) {
    %c0_i32 = arith.constant 0 : i32
    %c0_i32_0 = arith.constant 0 : i32
    return %arg0, %c0_i32 : i32, i32
  }
  func.func @transform_1(%arg0: i32) -> (i32, i32) {
    %c0_i32 = arith.constant 0 : i32
    %c0_i32_0 = arith.constant 0 : i32
    %c0_i32_1 = arith.constant 0 : i32
    return %c0_i32, %c0_i32_0 : i32, i32
  }
  func.func @transform_2(%arg0: i32) -> (i32, i32) {
    %c0_i32 = arith.constant 0 : i32
    %c0_i32_0 = arith.constant 0 : i32
    %c0_i32_1 = arith.constant 0 : i32
    return %c0_i32, %c0_i32_0 : i32, i32
  }
  func.func @transform_3(%arg0: i32) -> (i32, i32) {
    %c0_i32 = arith.constant 0 : i32
    %c0_i32_0 = arith.constant 0 : i32
    %c0_i32_1 = arith.constant 0 : i32
    return %c0_i32, %c0_i32_0 : i32, i32
  }
  func.func @transform_4(%arg0: i32) -> (i32, i32) {
    %c0_i32 = arith.constant 0 : i32
    %c0_i32_0 = arith.constant 0 : i32
    %c0_i32_1 = arith.constant 0 : i32
    return %c0_i32, %c0_i32_0 : i32, i32
  }
  func.func @transform_5(%arg0: i32) -> (i32, i32) {
    %c0_i32 = arith.constant 0 : i32
    %c0_i32_0 = arith.constant 0 : i32
    %c0_i32_1 = arith.constant 0 : i32
    return %c0_i32, %c0_i32_0 : i32, i32
  }
  func.func @transform_6(%arg0: i32) -> (i32, i32) {
    %c0_i32 = arith.constant 0 : i32
    %c0_i32_0 = arith.constant 0 : i32
    %c0_i32_1 = arith.constant 0 : i32
    return %c0_i32, %c0_i32_0 : i32, i32
  }
  func.func @transform_7(%arg0: i32) -> (i32, i32) {
    %c0_i32 = arith.constant 0 : i32
    %c0_i32_0 = arith.constant 0 : i32
    %c0_i32_1 = arith.constant 0 : i32
    return %c0_i32, %c0_i32_0 : i32, i32
  }
  func.func @transform_8(%arg0: i32) -> (i32, i32) {
    %c0_i32 = arith.constant 0 : i32
    %c0_i32_0 = arith.constant 0 : i32
    %c0_i32_1 = arith.constant 0 : i32
    return %c0_i32, %c0_i32_0 : i32, i32
  }
  func.func @transform_9(%arg0: i32) -> (i32, i32) {
    %c0_i32 = arith.constant 0 : i32
    %c0_i32_0 = arith.constant 0 : i32
    return %arg0, %c0_i32 : i32, i32
  }
}

module attributes {stable_mosaic.version = 14 : i64} {
  func.func @_route_body(%arg0: i32, %arg1: memref<256x1024xbf16, #tpu.memory_space<vmem>>, %arg2: memref<1024x16xbf16, #tpu.memory_space<vmem>>, %arg3: memref<1x16xf32, #tpu.memory_space<vmem>>, %arg4: memref<1x16xf32, #tpu.memory_space<vmem>>, %arg5: memref<1x16xf32, #tpu.memory_space<vmem>>, %arg6: memref<1024x4096xbf16, #tpu.memory_space<vmem>>, %arg7: memref<1x4096xf32, #tpu.memory_space<vmem>>, %arg8: memref<1024x4096xbf16, #tpu.memory_space<vmem>>, %arg9: memref<1x4096xf32, #tpu.memory_space<vmem>>, %arg10: memref<256x2x256xf32, #tpu.memory_space<vmem>>, %arg11: memref<256x16xf32, #tpu.memory_space<vmem>>, %arg12: memref<256x4096xf32, #tpu.memory_space<vmem>>, %arg13: memref<256x4096xf32, #tpu.memory_space<vmem>>, %arg14: memref<256x256xbf16, #tpu.memory_space<vmem>>) attributes {dimension_semantics = [#tpu.dimension_semantics<arbitrary>], iteration_bounds = array<i64: 16>, scalar_prefetch = 0 : i64, scratch_operands = 0 : i64, tpu.core_type = #tpu.core_type<tc>, window_params = [{transform_indices = @transform_0, window_bounds = array<i64: 256, 1024>}, {pipeline_mode = #tpu.pipeline_mode<synchronous>, transform_indices = @transform_1, window_bounds = array<i64: 1024, 16>}, {pipeline_mode = #tpu.pipeline_mode<synchronous>, transform_indices = @transform_2, window_bounds = array<i64: 1, 16>}, {pipeline_mode = #tpu.pipeline_mode<synchronous>, transform_indices = @transform_3, window_bounds = array<i64: 1, 16>}, {pipeline_mode = #tpu.pipeline_mode<synchronous>, transform_indices = @transform_4, window_bounds = array<i64: 1, 16>}, {pipeline_mode = #tpu.pipeline_mode<synchronous>, transform_indices = @transform_5, window_bounds = array<i64: 1024, 4096>}, {pipeline_mode = #tpu.pipeline_mode<synchronous>, transform_indices = @transform_6, window_bounds = array<i64: 1, 4096>}, {pipeline_mode = #tpu.pipeline_mode<synchronous>, transform_indices = @transform_7, window_bounds = array<i64: 1024, 4096>}, {pipeline_mode = #tpu.pipeline_mode<synchronous>, transform_indices = @transform_8, window_bounds = array<i64: 1, 4096>}, {transform_indices = @transform_9, window_bounds = array<i64: 256, 2, 256>}, {transform_indices = @transform_10, window_bounds = array<i64: 256, 16>}, {transform_indices = @transform_11, window_bounds = array<i64: 256, 4096>}, {transform_indices = @transform_12, window_bounds = array<i64: 256, 4096>}, {transform_indices = @transform_13, window_bounds = array<i64: 256, 256>}]} {
    %get3A = arith.constant 0 : index
    %get3A_0 = arith.constant 0 : index
    %get3A_1 = vector.load %arg1[%get3A, %get3A_0] : memref<256x1024xbf16, #tpu.memory_space<vmem>>, vector<256x1024xbf16>
    %get3A_2 = arith.constant 0 : index
    %get3A_3 = arith.constant 0 : index
    %get3A_4 = vector.load %arg2[%get3A_2, %get3A_3] : memref<1024x16xbf16, #tpu.memory_space<vmem>>, vector<1024x16xbf16>
    %dot_general3A = arith.constant dense<0.000000e+00> : vector<256x16xf32>
    %dot_general3A_5 = tpu.matmul %get3A_1, %get3A_4, %dot_general3A {dimension_numbers = #tpu.dot_dimension_numbers<[1], [0], [0], [1], [0, 0, 1, 1], [], []>, transpose_lhs_hint = false} : vector<256x1024xbf16>, vector<1024x16xbf16>, vector<256x16xf32> -> vector<256x16xf32>
    %get3A_6 = arith.constant 0 : index
    %get3A_7 = arith.constant 0 : index
    %get3A_8 = vector.load %arg3[%get3A_6, %get3A_7] : memref<1x16xf32, #tpu.memory_space<vmem>>, vector<1x16xf32>
    %add3A = vector.broadcast %get3A_8 : vector<1x16xf32> to vector<256x16xf32>
    %add3A_9 = arith.addf %dot_general3A_5, %add3A : vector<256x16xf32>
    %get3A_10 = arith.constant 0 : index
    %get3A_11 = arith.constant 0 : index
    %get3A_12 = vector.load %arg4[%get3A_10, %get3A_11] : memref<1x16xf32, #tpu.memory_space<vmem>>, vector<1x16xf32>
    %get3A_13 = arith.constant 0 : index
    %get3A_14 = arith.constant 0 : index
    %get3A_15 = vector.load %arg5[%get3A_13, %get3A_14] : memref<1x16xf32, #tpu.memory_space<vmem>>, vector<1x16xf32>
    %reduce_sum3A = arith.constant dense<0.000000e+00> : vector<256xf32>
    %reduce_sum3A_16 = vector.multi_reduction <add>, %add3A_9, %reduce_sum3A [1] : vector<256x16xf32> to vector<256xf32>
    %broadcast_in_dim3A = vector.shape_cast %reduce_sum3A_16 : vector<256xf32> to vector<256x1xf32>
    %div3A = arith.constant 1.600000e+01 : f32
    %div3A_17 = vector.broadcast %div3A : f32 to vector<256x1xf32>
    %div3A_18 = arith.divf %broadcast_in_dim3A, %div3A_17 : vector<256x1xf32>
    %jit3A = arith.constant 0 : i32
    %reduce_sum3A_19 = arith.constant dense<0.000000e+00> : vector<256xf32>
    %reduce_sum3A_20 = vector.multi_reduction <add>, %add3A_9, %reduce_sum3A_19 [1] : vector<256x16xf32> to vector<256xf32>
    %broadcast_in_dim3A_21 = vector.shape_cast %reduce_sum3A_20 : vector<256xf32> to vector<256x1xf32>
    %div3A_22 = arith.constant 1.600000e+01 : f32
    %div3A_23 = vector.broadcast %div3A_22 : f32 to vector<256x1xf32>
    %div3A_24 = arith.divf %broadcast_in_dim3A_21, %div3A_23 : vector<256x1xf32>
    %sub3A = vector.broadcast %div3A_24 : vector<256x1xf32> to vector<256x16xf32>
    %sub3A_25 = arith.subf %add3A_9, %sub3A : vector<256x16xf32>
    %square3A = arith.mulf %sub3A_25, %sub3A_25 : vector<256x16xf32>
    %convert_element_type3A = arith.sitofp %jit3A : i32 to f32
    %sub3A_26 = arith.constant 1.600000e+01 : f32
    %sub3A_27 = arith.subf %sub3A_26, %convert_element_type3A : f32
    %reduce_sum3A_28 = arith.constant dense<0.000000e+00> : vector<256xf32>
    %reduce_sum3A_29 = vector.multi_reduction <add>, %square3A, %reduce_sum3A_28 [1] : vector<256x16xf32> to vector<256xf32>
    %broadcast_in_dim3A_30 = vector.shape_cast %reduce_sum3A_29 : vector<256xf32> to vector<256x1xf32>
    %div3A_31 = vector.broadcast %sub3A_27 : f32 to vector<256x1xf32>
    %div3A_32 = arith.divf %broadcast_in_dim3A_30, %div3A_31 : vector<256x1xf32>
    %gt3A = arith.constant 0.000000e+00 : f32
    %gt3A_33 = arith.cmpf ogt, %sub3A_27, %gt3A : f32
    %jit3A_34 = arith.constant 0x7FC00000 : f32
    %broadcast_in_dim3A_35 = vector.broadcast %jit3A_34 : f32 to vector<256x1xf32>
    %select_n3A = arith.select %gt3A_33, %div3A_32, %broadcast_in_dim3A_35 : vector<256x1xf32>
    %sub3A_36 = vector.broadcast %div3A_18 : vector<256x1xf32> to vector<256x16xf32>
    %sub3A_37 = arith.subf %add3A_9, %sub3A_36 : vector<256x16xf32>
    %add3A_38 = arith.constant 9.99999974E-6 : f32
    %add3A_39 = vector.broadcast %add3A_38 : f32 to vector<256x1xf32>
    %add3A_40 = arith.addf %select_n3A, %add3A_39 : vector<256x1xf32>
    %sqrt3A = math.sqrt %add3A_40 : vector<256x1xf32>
    %div3A_41 = vector.broadcast %sqrt3A : vector<256x1xf32> to vector<256x16xf32>
    %div3A_42 = arith.divf %sub3A_37, %div3A_41 : vector<256x16xf32>
    %mul3A = vector.broadcast %get3A_12 : vector<1x16xf32> to vector<256x16xf32>
    %mul3A_43 = arith.mulf %div3A_42, %mul3A : vector<256x16xf32>
    %add3A_44 = vector.broadcast %get3A_15 : vector<1x16xf32> to vector<256x16xf32>
    %add3A_45 = arith.addf %mul3A_43, %add3A_44 : vector<256x16xf32>
    %reduce_max3A = arith.constant dense<0xFF800000> : vector<256xf32>
    %reduce_max3A_46 = vector.multi_reduction <maximumf>, %add3A_45, %reduce_max3A [1] : vector<256x16xf32> to vector<256xf32>
    %broadcast_in_dim3A_47 = vector.shape_cast %reduce_max3A_46 : vector<256xf32> to vector<256x1xf32>
    %sub3A_48 = vector.broadcast %broadcast_in_dim3A_47 : vector<256x1xf32> to vector<256x16xf32>
    %sub3A_49 = arith.subf %add3A_45, %sub3A_48 : vector<256x16xf32>
    %exp3A = math.exp %sub3A_49 : vector<256x16xf32>
    %reduce_sum3A_50 = arith.constant dense<0.000000e+00> : vector<256xf32>
    %reduce_sum3A_51 = vector.multi_reduction <add>, %exp3A, %reduce_sum3A_50 [1] : vector<256x16xf32> to vector<256xf32>
    %broadcast_in_dim3A_52 = vector.shape_cast %reduce_sum3A_51 : vector<256xf32> to vector<256x1xf32>
    %div3A_53 = vector.broadcast %broadcast_in_dim3A_52 : vector<256x1xf32> to vector<256x16xf32>
    %div3A_54 = arith.divf %exp3A, %div3A_53 : vector<256x16xf32>
    %swap3A = arith.constant 0 : index
    %swap3A_55 = arith.constant 0 : index
    %swap3A_56 = vector.load %arg11[%swap3A, %swap3A_55] : memref<256x16xf32, #tpu.memory_space<vmem>>, vector<256x16xf32>
    tpu.vector_store %arg11[%swap3A, %swap3A_55], %div3A_54 {strides = array<i32>} : memref<256x16xf32, #tpu.memory_space<vmem>>, vector<256x16xf32>,
    %get3A_57 = arith.constant 0 : index
    %get3A_58 = arith.constant 0 : index
    %get3A_59 = vector.load %arg6[%get3A_57, %get3A_58] : memref<1024x4096xbf16, #tpu.memory_space<vmem>>, vector<1024x4096xbf16>
    %dot_general3A_60 = arith.constant dense<0.000000e+00> : vector<256x4096xf32>
    %dot_general3A_61 = tpu.matmul %get3A_1, %get3A_59, %dot_general3A_60 {dimension_numbers = #tpu.dot_dimension_numbers<[1], [0], [0], [1], [0, 0, 1, 1], [], []>, transpose_lhs_hint = false} : vector<256x1024xbf16>, vector<1024x4096xbf16>, vector<256x4096xf32> -> vector<256x4096xf32>
    %get3A_62 = arith.constant 0 : index
    %get3A_63 = arith.constant 0 : index
    %get3A_64 = vector.load %arg7[%get3A_62, %get3A_63] : memref<1x4096xf32, #tpu.memory_space<vmem>>, vector<1x4096xf32>
    %add3A_65 = vector.broadcast %get3A_64 : vector<1x4096xf32> to vector<256x4096xf32>
    %add3A_66 = arith.addf %dot_general3A_61, %add3A_65 : vector<256x4096xf32>
    %get3A_67 = arith.constant 0 : index
    %get3A_68 = arith.constant 0 : index
    %get3A_69 = vector.load %arg8[%get3A_67, %get3A_68] : memref<1024x4096xbf16, #tpu.memory_space<vmem>>, vector<1024x4096xbf16>
    %dot_general3A_70 = arith.constant dense<0.000000e+00> : vector<256x4096xf32>
    %dot_general3A_71 = tpu.matmul %get3A_1, %get3A_69, %dot_general3A_70 {dimension_numbers = #tpu.dot_dimension_numbers<[1], [0], [0], [1], [0, 0, 1, 1], [], []>, transpose_lhs_hint = false} : vector<256x1024xbf16>, vector<1024x4096xbf16>, vector<256x4096xf32> -> vector<256x4096xf32>
    %get3A_72 = arith.constant 0 : index
    %get3A_73 = arith.constant 0 : index
    %get3A_74 = vector.load %arg9[%get3A_72, %get3A_73] : memref<1x4096xf32, #tpu.memory_space<vmem>>, vector<1x4096xf32>
    %add3A_75 = vector.broadcast %get3A_74 : vector<1x4096xf32> to vector<256x4096xf32>
    %add3A_76 = arith.addf %dot_general3A_71, %add3A_75 : vector<256x4096xf32>
    %swap3A_77 = arith.constant 0 : index
    %swap3A_78 = arith.constant 0 : index
    %swap3A_79 = vector.load %arg12[%swap3A_77, %swap3A_78] : memref<256x4096xf32, #tpu.memory_space<vmem>>, vector<256x4096xf32>
    tpu.vector_store %arg12[%swap3A_77, %swap3A_78], %add3A_66 {strides = array<i32>} : memref<256x4096xf32, #tpu.memory_space<vmem>>, vector<256x4096xf32>,
    %swap3A_80 = arith.constant 0 : index
    %swap3A_81 = arith.constant 0 : index
    %swap3A_82 = vector.load %arg13[%swap3A_80, %swap3A_81] : memref<256x4096xf32, #tpu.memory_space<vmem>>, vector<256x4096xf32>
    tpu.vector_store %arg13[%swap3A_80, %swap3A_81], %add3A_76 {strides = array<i32>} : memref<256x4096xf32, #tpu.memory_space<vmem>>, vector<256x4096xf32>,
    %reduce_max3A_83 = arith.constant dense<0xFF800000> : vector<256xf32>
    %reduce_max3A_84 = vector.multi_reduction <maximumf>, %div3A_54, %reduce_max3A_83 [1] : vector<256x16xf32> to vector<256xf32>
    %broadcast_in_dim3A_85 = vector.shape_cast %reduce_max3A_84 : vector<256xf32> to vector<256x1xf32>
    %argmax3A = tpu.reduce_index %div3A_54 {axis = 1 : i32, kind = #tpu.reduction_kind<arg_max>} : vector<256x16xf32> -> vector<256xi32>
    %broadcast_in_dim3A_86 = vector.shape_cast %argmax3A : vector<256xi32> to vector<256x1xi32>
    %iota3A = tpu.iota {dimensions = array<i32: 1>} : vector<256x16xi32>
    %eq3A = vector.broadcast %broadcast_in_dim3A_86 : vector<256x1xi32> to vector<256x16xi32>
    %eq3A_87 = arith.cmpi eq, %iota3A, %eq3A : vector<256x16xi32>
    %convert_element_type3A_88 = arith.extui %eq3A_87 : vector<256x16xi1> to vector<256x16xi32>
    %convert_element_type3A_89 = arith.sitofp %convert_element_type3A_88 : vector<256x16xi32> to vector<256x16xf32>
    %eq3A_90 = vector.broadcast %broadcast_in_dim3A_86 : vector<256x1xi32> to vector<256x16xi32>
    %eq3A_91 = arith.cmpi eq, %iota3A, %eq3A_90 : vector<256x16xi32>
    %jit3A_92 = arith.constant 0xFF800000 : f32
    %broadcast_in_dim3A_93 = vector.broadcast %jit3A_92 : f32 to vector<256x16xf32>
    %select_n3A_94 = arith.select %eq3A_91, %broadcast_in_dim3A_93, %div3A_54 : vector<256x16xi1>, vector<256x16xf32>
    %reduce_max3A_95 = arith.constant dense<0xFF800000> : vector<256xf32>
    %reduce_max3A_96 = vector.multi_reduction <maximumf>, %select_n3A_94, %reduce_max3A_95 [1] : vector<256x16xf32> to vector<256xf32>
    %broadcast_in_dim3A_97 = vector.shape_cast %reduce_max3A_96 : vector<256xf32> to vector<256x1xf32>
    %argmax3A_98 = tpu.reduce_index %select_n3A_94 {axis = 1 : i32, kind = #tpu.reduction_kind<arg_max>} : vector<256x16xf32> -> vector<256xi32>
    %broadcast_in_dim3A_99 = vector.shape_cast %argmax3A_98 : vector<256xi32> to vector<256x1xi32>
    %eq3A_100 = vector.broadcast %broadcast_in_dim3A_99 : vector<256x1xi32> to vector<256x16xi32>
    %eq3A_101 = arith.cmpi eq, %iota3A, %eq3A_100 : vector<256x16xi32>
    %convert_element_type3A_102 = arith.extui %eq3A_101 : vector<256x16xi1> to vector<256x16xi32>
    %convert_element_type3A_103 = arith.sitofp %convert_element_type3A_102 : vector<256x16xi32> to vector<256x16xf32>
    %mul3A_104 = vector.broadcast %broadcast_in_dim3A_85 : vector<256x1xf32> to vector<256x16xf32>
    %mul3A_105 = arith.mulf %mul3A_104, %convert_element_type3A_89 : vector<256x16xf32>
    %mul3A_106 = vector.broadcast %broadcast_in_dim3A_97 : vector<256x1xf32> to vector<256x16xf32>
    %mul3A_107 = arith.mulf %mul3A_106, %convert_element_type3A_103 : vector<256x16xf32>
    %add3A_108 = arith.addf %mul3A_105, %mul3A_107 : vector<256x16xf32>
    %broadcast_in_dim3A_109 = arith.constant 0.000000e+00 : f32
    %broadcast_in_dim3A_110 = vector.broadcast %broadcast_in_dim3A_109 : f32 to vector<256x256xf32>
    %broadcast_in_dim3A_111 = arith.constant 0.000000e+00 : f32
    %broadcast_in_dim3A_112 = vector.broadcast %broadcast_in_dim3A_111 : f32 to vector<256x256xf32>
    %broadcast_in_dim3A_113 = arith.constant 0.000000e+00 : f32
    %broadcast_in_dim3A_114 = vector.broadcast %broadcast_in_dim3A_113 : f32 to vector<256x256xf32>
    %slice3A = vector.extract_strided_slice %add3A_66 {offsets = [0, 0], sizes = [256, 256], strides = [1, 1]} : vector<256x4096xf32> to vector<256x256xf32>
    %slice3A_115 = vector.extract_strided_slice %add3A_76 {offsets = [0, 0], sizes = [256, 256], strides = [1, 1]} : vector<256x4096xf32> to vector<256x256xf32>
    %slice3A_116 = vector.extract_strided_slice %add3A_108 {offsets = [0, 0], sizes = [256, 1], strides = [1, 1]} : vector<256x16xf32> to vector<256x1xf32>
    %mul3A_117 = vector.broadcast %slice3A_116 : vector<256x1xf32> to vector<256x256xf32>
    %mul3A_118 = arith.mulf %mul3A_117, %slice3A : vector<256x256xf32>
    %add3A_119 = arith.addf %broadcast_in_dim3A_110, %mul3A_118 : vector<256x256xf32>
    %slice3A_120 = vector.extract_strided_slice %convert_element_type3A_89 {offsets = [0, 0], sizes = [256, 1], strides = [1, 1]} : vector<256x16xf32> to vector<256x1xf32>
    %mul3A_121 = vector.broadcast %slice3A_120 : vector<256x1xf32> to vector<256x256xf32>
    %mul3A_122 = arith.mulf %mul3A_121, %slice3A_115 : vector<256x256xf32>
    %add3A_123 = arith.addf %broadcast_in_dim3A_112, %mul3A_122 : vector<256x256xf32>
    %slice3A_124 = vector.extract_strided_slice %convert_element_type3A_103 {offsets = [0, 0], sizes = [256, 1], strides = [1, 1]} : vector<256x16xf32> to vector<256x1xf32>
    %mul3A_125 = vector.broadcast %slice3A_124 : vector<256x1xf32> to vector<256x256xf32>
    %mul3A_126 = arith.mulf %mul3A_125, %slice3A_115 : vector<256x256xf32>
    %add3A_127 = arith.addf %broadcast_in_dim3A_114, %mul3A_126 : vector<256x256xf32>
    %slice3A_128 = vector.extract_strided_slice %add3A_66 {offsets = [0, 256], sizes = [256, 256], strides = [1, 1]} : vector<256x4096xf32> to vector<256x256xf32>
    %slice3A_129 = vector.extract_strided_slice %add3A_76 {offsets = [0, 256], sizes = [256, 256], strides = [1, 1]} : vector<256x4096xf32> to vector<256x256xf32>
    %slice3A_130 = vector.extract_strided_slice %add3A_108 {offsets = [0, 1], sizes = [256, 1], strides = [1, 1]} : vector<256x16xf32> to vector<256x1xf32>
    %mul3A_131 = vector.broadcast %slice3A_130 : vector<256x1xf32> to vector<256x256xf32>
    %mul3A_132 = arith.mulf %mul3A_131, %slice3A_128 : vector<256x256xf32>
    %add3A_133 = arith.addf %add3A_119, %mul3A_132 : vector<256x256xf32>
    %slice3A_134 = vector.extract_strided_slice %convert_element_type3A_89 {offsets = [0, 1], sizes = [256, 1], strides = [1, 1]} : vector<256x16xf32> to vector<256x1xf32>
    %mul3A_135 = vector.broadcast %slice3A_134 : vector<256x1xf32> to vector<256x256xf32>
    %mul3A_136 = arith.mulf %mul3A_135, %slice3A_129 : vector<256x256xf32>
    %add3A_137 = arith.addf %add3A_123, %mul3A_136 : vector<256x256xf32>
    %slice3A_138 = vector.extract_strided_slice %convert_element_type3A_103 {offsets = [0, 1], sizes = [256, 1], strides = [1, 1]} : vector<256x16xf32> to vector<256x1xf32>
    %mul3A_139 = vector.broadcast %slice3A_138 : vector<256x1xf32> to vector<256x256xf32>
    %mul3A_140 = arith.mulf %mul3A_139, %slice3A_129 : vector<256x256xf32>
    %add3A_141 = arith.addf %add3A_127, %mul3A_140 : vector<256x256xf32>
    %slice3A_142 = vector.extract_strided_slice %add3A_66 {offsets = [0, 512], sizes = [256, 256], strides = [1, 1]} : vector<256x4096xf32> to vector<256x256xf32>
    %slice3A_143 = vector.extract_strided_slice %add3A_76 {offsets = [0, 512], sizes = [256, 256], strides = [1, 1]} : vector<256x4096xf32> to vector<256x256xf32>
    %slice3A_144 = vector.extract_strided_slice %add3A_108 {offsets = [0, 2], sizes = [256, 1], strides = [1, 1]} : vector<256x16xf32> to vector<256x1xf32>
    %mul3A_145 = vector.broadcast %slice3A_144 : vector<256x1xf32> to vector<256x256xf32>
    %mul3A_146 = arith.mulf %mul3A_145, %slice3A_142 : vector<256x256xf32>
    %add3A_147 = arith.addf %add3A_133, %mul3A_146 : vector<256x256xf32>
    %slice3A_148 = vector.extract_strided_slice %convert_element_type3A_89 {offsets = [0, 2], sizes = [256, 1], strides = [1, 1]} : vector<256x16xf32> to vector<256x1xf32>
    %mul3A_149 = vector.broadcast %slice3A_148 : vector<256x1xf32> to vector<256x256xf32>
    %mul3A_150 = arith.mulf %mul3A_149, %slice3A_143 : vector<256x256xf32>
    %add3A_151 = arith.addf %add3A_137, %mul3A_150 : vector<256x256xf32>
    %slice3A_152 = vector.extract_strided_slice %convert_element_type3A_103 {offsets = [0, 2], sizes = [256, 1], strides = [1, 1]} : vector<256x16xf32> to vector<256x1xf32>
    %mul3A_153 = vector.broadcast %slice3A_152 : vector<256x1xf32> to vector<256x256xf32>
    %mul3A_154 = arith.mulf %mul3A_153, %slice3A_143 : vector<256x256xf32>
    %add3A_155 = arith.addf %add3A_141, %mul3A_154 : vector<256x256xf32>
    %slice3A_156 = vector.extract_strided_slice %add3A_66 {offsets = [0, 768], sizes = [256, 256], strides = [1, 1]} : vector<256x4096xf32> to vector<256x256xf32>
    %slice3A_157 = vector.extract_strided_slice %add3A_76 {offsets = [0, 768], sizes = [256, 256], strides = [1, 1]} : vector<256x4096xf32> to vector<256x256xf32>
    %slice3A_158 = vector.extract_strided_slice %add3A_108 {offsets = [0, 3], sizes = [256, 1], strides = [1, 1]} : vector<256x16xf32> to vector<256x1xf32>
    %mul3A_159 = vector.broadcast %slice3A_158 : vector<256x1xf32> to vector<256x256xf32>
    %mul3A_160 = arith.mulf %mul3A_159, %slice3A_156 : vector<256x256xf32>
    %add3A_161 = arith.addf %add3A_147, %mul3A_160 : vector<256x256xf32>
    %slice3A_162 = vector.extract_strided_slice %convert_element_type3A_89 {offsets = [0, 3], sizes = [256, 1], strides = [1, 1]} : vector<256x16xf32> to vector<256x1xf32>
    %mul3A_163 = vector.broadcast %slice3A_162 : vector<256x1xf32> to vector<256x256xf32>
    %mul3A_164 = arith.mulf %mul3A_163, %slice3A_157 : vector<256x256xf32>
    %add3A_165 = arith.addf %add3A_151, %mul3A_164 : vector<256x256xf32>
    %slice3A_166 = vector.extract_strided_slice %convert_element_type3A_103 {offsets = [0, 3], sizes = [256, 1], strides = [1, 1]} : vector<256x16xf32> to vector<256x1xf32>
    %mul3A_167 = vector.broadcast %slice3A_166 : vector<256x1xf32> to vector<256x256xf32>
    %mul3A_168 = arith.mulf %mul3A_167, %slice3A_157 : vector<256x256xf32>
    %add3A_169 = arith.addf %add3A_155, %mul3A_168 : vector<256x256xf32>
    %slice3A_170 = vector.extract_strided_slice %add3A_66 {offsets = [0, 1024], sizes = [256, 256], strides = [1, 1]} : vector<256x4096xf32> to vector<256x256xf32>
    %slice3A_171 = vector.extract_strided_slice %add3A_76 {offsets = [0, 1024], sizes = [256, 256], strides = [1, 1]} : vector<256x4096xf32> to vector<256x256xf32>
    %slice3A_172 = vector.extract_strided_slice %add3A_108 {offsets = [0, 4], sizes = [256, 1], strides = [1, 1]} : vector<256x16xf32> to vector<256x1xf32>
    %mul3A_173 = vector.broadcast %slice3A_172 : vector<256x1xf32> to vector<256x256xf32>
    %mul3A_174 = arith.mulf %mul3A_173, %slice3A_170 : vector<256x256xf32>
    %add3A_175 = arith.addf %add3A_161, %mul3A_174 : vector<256x256xf32>
    %slice3A_176 = vector.extract_strided_slice %convert_element_type3A_89 {offsets = [0, 4], sizes = [256, 1], strides = [1, 1]} : vector<256x16xf32> to vector<256x1xf32>
    %mul3A_177 = vector.broadcast %slice3A_176 : vector<256x1xf32> to vector<256x256xf32>
    %mul3A_178 = arith.mulf %mul3A_177, %slice3A_171 : vector<256x256xf32>
    %add3A_179 = arith.addf %add3A_165, %mul3A_178 : vector<256x256xf32>
    %slice3A_180 = vector.extract_strided_slice %convert_element_type3A_103 {offsets = [0, 4], sizes = [256, 1], strides = [1, 1]} : vector<256x16xf32> to vector<256x1xf32>
    %mul3A_181 = vector.broadcast %slice3A_180 : vector<256x1xf32> to vector<256x256xf32>
    %mul3A_182 = arith.mulf %mul3A_181, %slice3A_171 : vector<256x256xf32>
    %add3A_183 = arith.addf %add3A_169, %mul3A_182 : vector<256x256xf32>
    %slice3A_184 = vector.extract_strided_slice %add3A_66 {offsets = [0, 1280], sizes = [256, 256], strides = [1, 1]} : vector<256x4096xf32> to vector<256x256xf32>
    %slice3A_185 = vector.extract_strided_slice %add3A_76 {offsets = [0, 1280], sizes = [256, 256], strides = [1, 1]} : vector<256x4096xf32> to vector<256x256xf32>
    %slice3A_186 = vector.extract_strided_slice %add3A_108 {offsets = [0, 5], sizes = [256, 1], strides = [1, 1]} : vector<256x16xf32> to vector<256x1xf32>
    %mul3A_187 = vector.broadcast %slice3A_186 : vector<256x1xf32> to vector<256x256xf32>
    %mul3A_188 = arith.mulf %mul3A_187, %slice3A_184 : vector<256x256xf32>
    %add3A_189 = arith.addf %add3A_175, %mul3A_188 : vector<256x256xf32>
    %slice3A_190 = vector.extract_strided_slice %convert_element_type3A_89 {offsets = [0, 5], sizes = [256, 1], strides = [1, 1]} : vector<256x16xf32> to vector<256x1xf32>
    %mul3A_191 = vector.broadcast %slice3A_190 : vector<256x1xf32> to vector<256x256xf32>
    %mul3A_192 = arith.mulf %mul3A_191, %slice3A_185 : vector<256x256xf32>
    %add3A_193 = arith.addf %add3A_179, %mul3A_192 : vector<256x256xf32>
    %slice3A_194 = vector.extract_strided_slice %convert_element_type3A_103 {offsets = [0, 5], sizes = [256, 1], strides = [1, 1]} : vector<256x16xf32> to vector<256x1xf32>
    %mul3A_195 = vector.broadcast %slice3A_194 : vector<256x1xf32> to vector<256x256xf32>
    %mul3A_196 = arith.mulf %mul3A_195, %slice3A_185 : vector<256x256xf32>
    %add3A_197 = arith.addf %add3A_183, %mul3A_196 : vector<256x256xf32>
    %slice3A_198 = vector.extract_strided_slice %add3A_66 {offsets = [0, 1536], sizes = [256, 256], strides = [1, 1]} : vector<256x4096xf32> to vector<256x256xf32>
    %slice3A_199 = vector.extract_strided_slice %add3A_76 {offsets = [0, 1536], sizes = [256, 256], strides = [1, 1]} : vector<256x4096xf32> to vector<256x256xf32>
    %slice3A_200 = vector.extract_strided_slice %add3A_108 {offsets = [0, 6], sizes = [256, 1], strides = [1, 1]} : vector<256x16xf32> to vector<256x1xf32>
    %mul3A_201 = vector.broadcast %slice3A_200 : vector<256x1xf32> to vector<256x256xf32>
    %mul3A_202 = arith.mulf %mul3A_201, %slice3A_198 : vector<256x256xf32>
    %add3A_203 = arith.addf %add3A_189, %mul3A_202 : vector<256x256xf32>
    %slice3A_204 = vector.extract_strided_slice %convert_element_type3A_89 {offsets = [0, 6], sizes = [256, 1], strides = [1, 1]} : vector<256x16xf32> to vector<256x1xf32>
    %mul3A_205 = vector.broadcast %slice3A_204 : vector<256x1xf32> to vector<256x256xf32>
    %mul3A_206 = arith.mulf %mul3A_205, %slice3A_199 : vector<256x256xf32>
    %add3A_207 = arith.addf %add3A_193, %mul3A_206 : vector<256x256xf32>
    %slice3A_208 = vector.extract_strided_slice %convert_element_type3A_103 {offsets = [0, 6], sizes = [256, 1], strides = [1, 1]} : vector<256x16xf32> to vector<256x1xf32>
    %mul3A_209 = vector.broadcast %slice3A_208 : vector<256x1xf32> to vector<256x256xf32>
    %mul3A_210 = arith.mulf %mul3A_209, %slice3A_199 : vector<256x256xf32>
    %add3A_211 = arith.addf %add3A_197, %mul3A_210 : vector<256x256xf32>
    %slice3A_212 = vector.extract_strided_slice %add3A_66 {offsets = [0, 1792], sizes = [256, 256], strides = [1, 1]} : vector<256x4096xf32> to vector<256x256xf32>
    %slice3A_213 = vector.extract_strided_slice %add3A_76 {offsets = [0, 1792], sizes = [256, 256], strides = [1, 1]} : vector<256x4096xf32> to vector<256x256xf32>
    %slice3A_214 = vector.extract_strided_slice %add3A_108 {offsets = [0, 7], sizes = [256, 1], strides = [1, 1]} : vector<256x16xf32> to vector<256x1xf32>
    %mul3A_215 = vector.broadcast %slice3A_214 : vector<256x1xf32> to vector<256x256xf32>
    %mul3A_216 = arith.mulf %mul3A_215, %slice3A_212 : vector<256x256xf32>
    %add3A_217 = arith.addf %add3A_203, %mul3A_216 : vector<256x256xf32>
    %slice3A_218 = vector.extract_strided_slice %convert_element_type3A_89 {offsets = [0, 7], sizes = [256, 1], strides = [1, 1]} : vector<256x16xf32> to vector<256x1xf32>
    %mul3A_219 = vector.broadcast %slice3A_218 : vector<256x1xf32> to vector<256x256xf32>
    %mul3A_220 = arith.mulf %mul3A_219, %slice3A_213 : vector<256x256xf32>
    %add3A_221 = arith.addf %add3A_207, %mul3A_220 : vector<256x256xf32>
    %slice3A_222 = vector.extract_strided_slice %convert_element_type3A_103 {offsets = [0, 7], sizes = [256, 1], strides = [1, 1]} : vector<256x16xf32> to vector<256x1xf32>
    %mul3A_223 = vector.broadcast %slice3A_222 : vector<256x1xf32> to vector<256x256xf32>
    %mul3A_224 = arith.mulf %mul3A_223, %slice3A_213 : vector<256x256xf32>
    %add3A_225 = arith.addf %add3A_211, %mul3A_224 : vector<256x256xf32>
    %slice3A_226 = vector.extract_strided_slice %add3A_66 {offsets = [0, 2048], sizes = [256, 256], strides = [1, 1]} : vector<256x4096xf32> to vector<256x256xf32>
    %slice3A_227 = vector.extract_strided_slice %add3A_76 {offsets = [0, 2048], sizes = [256, 256], strides = [1, 1]} : vector<256x4096xf32> to vector<256x256xf32>
    %slice3A_228 = vector.extract_strided_slice %add3A_108 {offsets = [0, 8], sizes = [256, 1], strides = [1, 1]} : vector<256x16xf32> to vector<256x1xf32>
    %mul3A_229 = vector.broadcast %slice3A_228 : vector<256x1xf32> to vector<256x256xf32>
    %mul3A_230 = arith.mulf %mul3A_229, %slice3A_226 : vector<256x256xf32>
    %add3A_231 = arith.addf %add3A_217, %mul3A_230 : vector<256x256xf32>
    %slice3A_232 = vector.extract_strided_slice %convert_element_type3A_89 {offsets = [0, 8], sizes = [256, 1], strides = [1, 1]} : vector<256x16xf32> to vector<256x1xf32>
    %mul3A_233 = vector.broadcast %slice3A_232 : vector<256x1xf32> to vector<256x256xf32>
    %mul3A_234 = arith.mulf %mul3A_233, %slice3A_227 : vector<256x256xf32>
    %add3A_235 = arith.addf %add3A_221, %mul3A_234 : vector<256x256xf32>
    %slice3A_236 = vector.extract_strided_slice %convert_element_type3A_103 {offsets = [0, 8], sizes = [256, 1], strides = [1, 1]} : vector<256x16xf32> to vector<256x1xf32>
    %mul3A_237 = vector.broadcast %slice3A_236 : vector<256x1xf32> to vector<256x256xf32>
    %mul3A_238 = arith.mulf %mul3A_237, %slice3A_227 : vector<256x256xf32>
    %add3A_239 = arith.addf %add3A_225, %mul3A_238 : vector<256x256xf32>
    %slice3A_240 = vector.extract_strided_slice %add3A_66 {offsets = [0, 2304], sizes = [256, 256], strides = [1, 1]} : vector<256x4096xf32> to vector<256x256xf32>
    %slice3A_241 = vector.extract_strided_slice %add3A_76 {offsets = [0, 2304], sizes = [256, 256], strides = [1, 1]} : vector<256x4096xf32> to vector<256x256xf32>
    %slice3A_242 = vector.extract_strided_slice %add3A_108 {offsets = [0, 9], sizes = [256, 1], strides = [1, 1]} : vector<256x16xf32> to vector<256x1xf32>
    %mul3A_243 = vector.broadcast %slice3A_242 : vector<256x1xf32> to vector<256x256xf32>
    %mul3A_244 = arith.mulf %mul3A_243, %slice3A_240 : vector<256x256xf32>
    %add3A_245 = arith.addf %add3A_231, %mul3A_244 : vector<256x256xf32>
    %slice3A_246 = vector.extract_strided_slice %convert_element_type3A_89 {offsets = [0, 9], sizes = [256, 1], strides = [1, 1]} : vector<256x16xf32> to vector<256x1xf32>
    %mul3A_247 = vector.broadcast %slice3A_246 : vector<256x1xf32> to vector<256x256xf32>
    %mul3A_248 = arith.mulf %mul3A_247, %slice3A_241 : vector<256x256xf32>
    %add3A_249 = arith.addf %add3A_235, %mul3A_248 : vector<256x256xf32>
    %slice3A_250 = vector.extract_strided_slice %convert_element_type3A_103 {offsets = [0, 9], sizes = [256, 1], strides = [1, 1]} : vector<256x16xf32> to vector<256x1xf32>
    %mul3A_251 = vector.broadcast %slice3A_250 : vector<256x1xf32> to vector<256x256xf32>
    %mul3A_252 = arith.mulf %mul3A_251, %slice3A_241 : vector<256x256xf32>
    %add3A_253 = arith.addf %add3A_239, %mul3A_252 : vector<256x256xf32>
    %slice3A_254 = vector.extract_strided_slice %add3A_66 {offsets = [0, 2560], sizes = [256, 256], strides = [1, 1]} : vector<256x4096xf32> to vector<256x256xf32>
    %slice3A_255 = vector.extract_strided_slice %add3A_76 {offsets = [0, 2560], sizes = [256, 256], strides = [1, 1]} : vector<256x4096xf32> to vector<256x256xf32>
    %slice3A_256 = vector.extract_strided_slice %add3A_108 {offsets = [0, 10], sizes = [256, 1], strides = [1, 1]} : vector<256x16xf32> to vector<256x1xf32>
    %mul3A_257 = vector.broadcast %slice3A_256 : vector<256x1xf32> to vector<256x256xf32>
    %mul3A_258 = arith.mulf %mul3A_257, %slice3A_254 : vector<256x256xf32>
    %add3A_259 = arith.addf %add3A_245, %mul3A_258 : vector<256x256xf32>
    %slice3A_260 = vector.extract_strided_slice %convert_element_type3A_89 {offsets = [0, 10], sizes = [256, 1], strides = [1, 1]} : vector<256x16xf32> to vector<256x1xf32>
    %mul3A_261 = vector.broadcast %slice3A_260 : vector<256x1xf32> to vector<256x256xf32>
    %mul3A_262 = arith.mulf %mul3A_261, %slice3A_255 : vector<256x256xf32>
    %add3A_263 = arith.addf %add3A_249, %mul3A_262 : vector<256x256xf32>
    %slice3A_264 = vector.extract_strided_slice %convert_element_type3A_103 {offsets = [0, 10], sizes = [256, 1], strides = [1, 1]} : vector<256x16xf32> to vector<256x1xf32>
    %mul3A_265 = vector.broadcast %slice3A_264 : vector<256x1xf32> to vector<256x256xf32>
    %mul3A_266 = arith.mulf %mul3A_265, %slice3A_255 : vector<256x256xf32>
    %add3A_267 = arith.addf %add3A_253, %mul3A_266 : vector<256x256xf32>
    %slice3A_268 = vector.extract_strided_slice %add3A_66 {offsets = [0, 2816], sizes = [256, 256], strides = [1, 1]} : vector<256x4096xf32> to vector<256x256xf32>
    %slice3A_269 = vector.extract_strided_slice %add3A_76 {offsets = [0, 2816], sizes = [256, 256], strides = [1, 1]} : vector<256x4096xf32> to vector<256x256xf32>
    %slice3A_270 = vector.extract_strided_slice %add3A_108 {offsets = [0, 11], sizes = [256, 1], strides = [1, 1]} : vector<256x16xf32> to vector<256x1xf32>
    %mul3A_271 = vector.broadcast %slice3A_270 : vector<256x1xf32> to vector<256x256xf32>
    %mul3A_272 = arith.mulf %mul3A_271, %slice3A_268 : vector<256x256xf32>
    %add3A_273 = arith.addf %add3A_259, %mul3A_272 : vector<256x256xf32>
    %slice3A_274 = vector.extract_strided_slice %convert_element_type3A_89 {offsets = [0, 11], sizes = [256, 1], strides = [1, 1]} : vector<256x16xf32> to vector<256x1xf32>
    %mul3A_275 = vector.broadcast %slice3A_274 : vector<256x1xf32> to vector<256x256xf32>
    %mul3A_276 = arith.mulf %mul3A_275, %slice3A_269 : vector<256x256xf32>
    %add3A_277 = arith.addf %add3A_263, %mul3A_276 : vector<256x256xf32>
    %slice3A_278 = vector.extract_strided_slice %convert_element_type3A_103 {offsets = [0, 11], sizes = [256, 1], strides = [1, 1]} : vector<256x16xf32> to vector<256x1xf32>
    %mul3A_279 = vector.broadcast %slice3A_278 : vector<256x1xf32> to vector<256x256xf32>
    %mul3A_280 = arith.mulf %mul3A_279, %slice3A_269 : vector<256x256xf32>
    %add3A_281 = arith.addf %add3A_267, %mul3A_280 : vector<256x256xf32>
    %slice3A_282 = vector.extract_strided_slice %add3A_66 {offsets = [0, 3072], sizes = [256, 256], strides = [1, 1]} : vector<256x4096xf32> to vector<256x256xf32>
    %slice3A_283 = vector.extract_strided_slice %add3A_76 {offsets = [0, 3072], sizes = [256, 256], strides = [1, 1]} : vector<256x4096xf32> to vector<256x256xf32>
    %slice3A_284 = vector.extract_strided_slice %add3A_108 {offsets = [0, 12], sizes = [256, 1], strides = [1, 1]} : vector<256x16xf32> to vector<256x1xf32>
    %mul3A_285 = vector.broadcast %slice3A_284 : vector<256x1xf32> to vector<256x256xf32>
    %mul3A_286 = arith.mulf %mul3A_285, %slice3A_282 : vector<256x256xf32>
    %add3A_287 = arith.addf %add3A_273, %mul3A_286 : vector<256x256xf32>
    %slice3A_288 = vector.extract_strided_slice %convert_element_type3A_89 {offsets = [0, 12], sizes = [256, 1], strides = [1, 1]} : vector<256x16xf32> to vector<256x1xf32>
    %mul3A_289 = vector.broadcast %slice3A_288 : vector<256x1xf32> to vector<256x256xf32>
    %mul3A_290 = arith.mulf %mul3A_289, %slice3A_283 : vector<256x256xf32>
    %add3A_291 = arith.addf %add3A_277, %mul3A_290 : vector<256x256xf32>
    %slice3A_292 = vector.extract_strided_slice %convert_element_type3A_103 {offsets = [0, 12], sizes = [256, 1], strides = [1, 1]} : vector<256x16xf32> to vector<256x1xf32>
    %mul3A_293 = vector.broadcast %slice3A_292 : vector<256x1xf32> to vector<256x256xf32>
    %mul3A_294 = arith.mulf %mul3A_293, %slice3A_283 : vector<256x256xf32>
    %add3A_295 = arith.addf %add3A_281, %mul3A_294 : vector<256x256xf32>
    %slice3A_296 = vector.extract_strided_slice %add3A_66 {offsets = [0, 3328], sizes = [256, 256], strides = [1, 1]} : vector<256x4096xf32> to vector<256x256xf32>
    %slice3A_297 = vector.extract_strided_slice %add3A_76 {offsets = [0, 3328], sizes = [256, 256], strides = [1, 1]} : vector<256x4096xf32> to vector<256x256xf32>
    %slice3A_298 = vector.extract_strided_slice %add3A_108 {offsets = [0, 13], sizes = [256, 1], strides = [1, 1]} : vector<256x16xf32> to vector<256x1xf32>
    %mul3A_299 = vector.broadcast %slice3A_298 : vector<256x1xf32> to vector<256x256xf32>
    %mul3A_300 = arith.mulf %mul3A_299, %slice3A_296 : vector<256x256xf32>
    %add3A_301 = arith.addf %add3A_287, %mul3A_300 : vector<256x256xf32>
    %slice3A_302 = vector.extract_strided_slice %convert_element_type3A_89 {offsets = [0, 13], sizes = [256, 1], strides = [1, 1]} : vector<256x16xf32> to vector<256x1xf32>
    %mul3A_303 = vector.broadcast %slice3A_302 : vector<256x1xf32> to vector<256x256xf32>
    %mul3A_304 = arith.mulf %mul3A_303, %slice3A_297 : vector<256x256xf32>
    %add3A_305 = arith.addf %add3A_291, %mul3A_304 : vector<256x256xf32>
    %slice3A_306 = vector.extract_strided_slice %convert_element_type3A_103 {offsets = [0, 13], sizes = [256, 1], strides = [1, 1]} : vector<256x16xf32> to vector<256x1xf32>
    %mul3A_307 = vector.broadcast %slice3A_306 : vector<256x1xf32> to vector<256x256xf32>
    %mul3A_308 = arith.mulf %mul3A_307, %slice3A_297 : vector<256x256xf32>
    %add3A_309 = arith.addf %add3A_295, %mul3A_308 : vector<256x256xf32>
    %slice3A_310 = vector.extract_strided_slice %add3A_66 {offsets = [0, 3584], sizes = [256, 256], strides = [1, 1]} : vector<256x4096xf32> to vector<256x256xf32>
    %slice3A_311 = vector.extract_strided_slice %add3A_76 {offsets = [0, 3584], sizes = [256, 256], strides = [1, 1]} : vector<256x4096xf32> to vector<256x256xf32>
    %slice3A_312 = vector.extract_strided_slice %add3A_108 {offsets = [0, 14], sizes = [256, 1], strides = [1, 1]} : vector<256x16xf32> to vector<256x1xf32>
    %mul3A_313 = vector.broadcast %slice3A_312 : vector<256x1xf32> to vector<256x256xf32>
    %mul3A_314 = arith.mulf %mul3A_313, %slice3A_310 : vector<256x256xf32>
    %add3A_315 = arith.addf %add3A_301, %mul3A_314 : vector<256x256xf32>
    %slice3A_316 = vector.extract_strided_slice %convert_element_type3A_89 {offsets = [0, 14], sizes = [256, 1], strides = [1, 1]} : vector<256x16xf32> to vector<256x1xf32>
    %mul3A_317 = vector.broadcast %slice3A_316 : vector<256x1xf32> to vector<256x256xf32>
    %mul3A_318 = arith.mulf %mul3A_317, %slice3A_311 : vector<256x256xf32>
    %add3A_319 = arith.addf %add3A_305, %mul3A_318 : vector<256x256xf32>
    %slice3A_320 = vector.extract_strided_slice %convert_element_type3A_103 {offsets = [0, 14], sizes = [256, 1], strides = [1, 1]} : vector<256x16xf32> to vector<256x1xf32>
    %mul3A_321 = vector.broadcast %slice3A_320 : vector<256x1xf32> to vector<256x256xf32>
    %mul3A_322 = arith.mulf %mul3A_321, %slice3A_311 : vector<256x256xf32>
    %add3A_323 = arith.addf %add3A_309, %mul3A_322 : vector<256x256xf32>
    %slice3A_324 = vector.extract_strided_slice %add3A_66 {offsets = [0, 3840], sizes = [256, 256], strides = [1, 1]} : vector<256x4096xf32> to vector<256x256xf32>
    %slice3A_325 = vector.extract_strided_slice %add3A_76 {offsets = [0, 3840], sizes = [256, 256], strides = [1, 1]} : vector<256x4096xf32> to vector<256x256xf32>
    %slice3A_326 = vector.extract_strided_slice %add3A_108 {offsets = [0, 15], sizes = [256, 1], strides = [1, 1]} : vector<256x16xf32> to vector<256x1xf32>
    %mul3A_327 = vector.broadcast %slice3A_326 : vector<256x1xf32> to vector<256x256xf32>
    %mul3A_328 = arith.mulf %mul3A_327, %slice3A_324 : vector<256x256xf32>
    %add3A_329 = arith.addf %add3A_315, %mul3A_328 : vector<256x256xf32>
    %slice3A_330 = vector.extract_strided_slice %convert_element_type3A_89 {offsets = [0, 15], sizes = [256, 1], strides = [1, 1]} : vector<256x16xf32> to vector<256x1xf32>
    %mul3A_331 = vector.broadcast %slice3A_330 : vector<256x1xf32> to vector<256x256xf32>
    %mul3A_332 = arith.mulf %mul3A_331, %slice3A_325 : vector<256x256xf32>
    %add3A_333 = arith.addf %add3A_319, %mul3A_332 : vector<256x256xf32>
    %slice3A_334 = vector.extract_strided_slice %convert_element_type3A_103 {offsets = [0, 15], sizes = [256, 1], strides = [1, 1]} : vector<256x16xf32> to vector<256x1xf32>
    %mul3A_335 = vector.broadcast %slice3A_334 : vector<256x1xf32> to vector<256x256xf32>
    %mul3A_336 = arith.mulf %mul3A_335, %slice3A_325 : vector<256x256xf32>
    %add3A_337 = arith.addf %add3A_323, %mul3A_336 : vector<256x256xf32>
    %get3A_338 = arith.constant 0 : index
    %get3A_339 = arith.constant 0 : index
    %get3A_340 = arith.constant 0 : index
    %get3A_341 = vector.load %arg10[%get3A_338, %get3A_339, %get3A_340] : memref<256x2x256xf32, #tpu.memory_space<vmem>>, vector<256x1x256xf32>
    %get3A_342 = vector.shape_cast %get3A_341 : vector<256x1x256xf32> to vector<256x256xf32>
    %get3A_343 = arith.constant 0 : index
    %get3A_344 = arith.constant 1 : index
    %get3A_345 = arith.constant 0 : index
    %get3A_346 = vector.load %arg10[%get3A_343, %get3A_344, %get3A_345] : memref<256x2x256xf32, #tpu.memory_space<vmem>>, vector<256x1x256xf32>
    %get3A_347 = vector.shape_cast %get3A_346 : vector<256x1x256xf32> to vector<256x256xf32>
    %mul3A_348 = vector.broadcast %broadcast_in_dim3A_85 : vector<256x1xf32> to vector<256x256xf32>
    %mul3A_349 = arith.mulf %mul3A_348, %get3A_342 : vector<256x256xf32>
    %mul3A_350 = arith.constant 5.000000e-01 : f32
    %mul3A_351 = vector.broadcast %mul3A_350 : f32 to vector<256x256xf32>
    %mul3A_352 = arith.mulf %mul3A_351, %add3A_333 : vector<256x256xf32>
    %exp3A_353 = math.exp %mul3A_352 : vector<256x256xf32>
    %mul3A_354 = arith.mulf %mul3A_349, %exp3A_353 : vector<256x256xf32>
    %add3A_355 = arith.addf %add3A_329, %mul3A_354 : vector<256x256xf32>
    %mul3A_356 = vector.broadcast %broadcast_in_dim3A_97 : vector<256x1xf32> to vector<256x256xf32>
    %mul3A_357 = arith.mulf %mul3A_356, %get3A_347 : vector<256x256xf32>
    %mul3A_358 = arith.constant 5.000000e-01 : f32
    %mul3A_359 = vector.broadcast %mul3A_358 : f32 to vector<256x256xf32>
    %mul3A_360 = arith.mulf %mul3A_359, %add3A_337 : vector<256x256xf32>
    %exp3A_361 = math.exp %mul3A_360 : vector<256x256xf32>
    %mul3A_362 = arith.mulf %mul3A_357, %exp3A_361 : vector<256x256xf32>
    %add3A_363 = arith.addf %add3A_355, %mul3A_362 : vector<256x256xf32>
    %convert_element_type3A_364 = arith.truncf %add3A_363 : vector<256x256xf32> to vector<256x256xbf16>
    %swap3A_365 = arith.constant 0 : index
    %swap3A_366 = arith.constant 0 : index
    %swap3A_367 = vector.load %arg14[%swap3A_365, %swap3A_366] : memref<256x256xbf16, #tpu.memory_space<vmem>>, vector<256x256xbf16>
    tpu.vector_store %arg14[%swap3A_365, %swap3A_366], %convert_element_type3A_364 {strides = array<i32>} : memref<256x256xbf16, #tpu.memory_space<vmem>>, vector<256x256xbf16>,
    return
  }
  func.func @transform_0(%arg0: i32) -> (i32, i32) {
    %c0_i32 = arith.constant 0 : i32
    %c0_i32_0 = arith.constant 0 : i32
    return %arg0, %c0_i32 : i32, i32
  }
  func.func @transform_1(%arg0: i32) -> (i32, i32) {
    %c0_i32 = arith.constant 0 : i32
    %c0_i32_0 = arith.constant 0 : i32
    %c0_i32_1 = arith.constant 0 : i32
    return %c0_i32, %c0_i32_0 : i32, i32
  }
  func.func @transform_2(%arg0: i32) -> (i32, i32) {
    %c0_i32 = arith.constant 0 : i32
    %c0_i32_0 = arith.constant 0 : i32
    %c0_i32_1 = arith.constant 0 : i32
    return %c0_i32, %c0_i32_0 : i32, i32
  }
  func.func @transform_3(%arg0: i32) -> (i32, i32) {
    %c0_i32 = arith.constant 0 : i32
    %c0_i32_0 = arith.constant 0 : i32
    %c0_i32_1 = arith.constant 0 : i32
    return %c0_i32, %c0_i32_0 : i32, i32
  }
  func.func @transform_4(%arg0: i32) -> (i32, i32) {
    %c0_i32 = arith.constant 0 : i32
    %c0_i32_0 = arith.constant 0 : i32
    %c0_i32_1 = arith.constant 0 : i32
    return %c0_i32, %c0_i32_0 : i32, i32
  }
  func.func @transform_5(%arg0: i32) -> (i32, i32) {
    %c0_i32 = arith.constant 0 : i32
    %c0_i32_0 = arith.constant 0 : i32
    %c0_i32_1 = arith.constant 0 : i32
    return %c0_i32, %c0_i32_0 : i32, i32
  }
  func.func @transform_6(%arg0: i32) -> (i32, i32) {
    %c0_i32 = arith.constant 0 : i32
    %c0_i32_0 = arith.constant 0 : i32
    %c0_i32_1 = arith.constant 0 : i32
    return %c0_i32, %c0_i32_0 : i32, i32
  }
  func.func @transform_7(%arg0: i32) -> (i32, i32) {
    %c0_i32 = arith.constant 0 : i32
    %c0_i32_0 = arith.constant 0 : i32
    %c0_i32_1 = arith.constant 0 : i32
    return %c0_i32, %c0_i32_0 : i32, i32
  }
  func.func @transform_8(%arg0: i32) -> (i32, i32) {
    %c0_i32 = arith.constant 0 : i32
    %c0_i32_0 = arith.constant 0 : i32
    %c0_i32_1 = arith.constant 0 : i32
    return %c0_i32, %c0_i32_0 : i32, i32
  }
  func.func @transform_9(%arg0: i32) -> (i32, i32, i32) {
    %c0_i32 = arith.constant 0 : i32
    %c0_i32_0 = arith.constant 0 : i32
    %c0_i32_1 = arith.constant 0 : i32
    return %arg0, %c0_i32, %c0_i32_0 : i32, i32, i32
  }
  func.func @transform_10(%arg0: i32) -> (i32, i32) {
    %c0_i32 = arith.constant 0 : i32
    %c0_i32_0 = arith.constant 0 : i32
    return %arg0, %c0_i32 : i32, i32
  }
  func.func @transform_11(%arg0: i32) -> (i32, i32) {
    %c0_i32 = arith.constant 0 : i32
    %c0_i32_0 = arith.constant 0 : i32
    return %arg0, %c0_i32 : i32, i32
  }
  func.func @transform_12(%arg0: i32) -> (i32, i32) {
    %c0_i32 = arith.constant 0 : i32
    %c0_i32_0 = arith.constant 0 : i32
    return %arg0, %c0_i32 : i32, i32
  }
  func.func @transform_13(%arg0: i32) -> (i32, i32) {
    %c0_i32 = arith.constant 0 : i32
    %c0_i32_0 = arith.constant 0 : i32
    return %arg0, %c0_i32 : i32, i32
  }
}

module attributes {stable_mosaic.version = 14 : i64} {
  func.func @_dec_body(%arg0: i32, %arg1: memref<512x256xbf16, #tpu.memory_space<vmem>>, %arg2: memref<256x1024xbf16, #tpu.memory_space<vmem>>, %arg3: memref<1x1024xf32, #tpu.memory_space<vmem>>, %arg4: memref<1x1024xf32, #tpu.memory_space<vmem>>, %arg5: memref<1x1024xf32, #tpu.memory_space<vmem>>, %arg6: memref<1024x2048xbf16, #tpu.memory_space<vmem>>, %arg7: memref<1x2048xf32, #tpu.memory_space<vmem>>, %arg8: memref<1x2048xf32, #tpu.memory_space<vmem>>, %arg9: memref<1x2048xf32, #tpu.memory_space<vmem>>, %arg10: memref<2048x1024xbf16, #tpu.memory_space<vmem>>, %arg11: memref<1x1024xf32, #tpu.memory_space<vmem>>, %arg12: memref<512x1024xf32, #tpu.memory_space<vmem>>) attributes {dimension_semantics = [#tpu.dimension_semantics<arbitrary>], iteration_bounds = array<i64: 16>, scalar_prefetch = 0 : i64, scratch_operands = 0 : i64, tpu.core_type = #tpu.core_type<tc>, window_params = [{transform_indices = @transform_0, window_bounds = array<i64: 512, 256>}, {pipeline_mode = #tpu.pipeline_mode<synchronous>, transform_indices = @transform_1, window_bounds = array<i64: 256, 1024>}, {pipeline_mode = #tpu.pipeline_mode<synchronous>, transform_indices = @transform_2, window_bounds = array<i64: 1, 1024>}, {pipeline_mode = #tpu.pipeline_mode<synchronous>, transform_indices = @transform_3, window_bounds = array<i64: 1, 1024>}, {pipeline_mode = #tpu.pipeline_mode<synchronous>, transform_indices = @transform_4, window_bounds = array<i64: 1, 1024>}, {pipeline_mode = #tpu.pipeline_mode<synchronous>, transform_indices = @transform_5, window_bounds = array<i64: 1024, 2048>}, {pipeline_mode = #tpu.pipeline_mode<synchronous>, transform_indices = @transform_6, window_bounds = array<i64: 1, 2048>}, {pipeline_mode = #tpu.pipeline_mode<synchronous>, transform_indices = @transform_7, window_bounds = array<i64: 1, 2048>}, {pipeline_mode = #tpu.pipeline_mode<synchronous>, transform_indices = @transform_8, window_bounds = array<i64: 1, 2048>}, {pipeline_mode = #tpu.pipeline_mode<synchronous>, transform_indices = @transform_9, window_bounds = array<i64: 2048, 1024>}, {pipeline_mode = #tpu.pipeline_mode<synchronous>, transform_indices = @transform_10, window_bounds = array<i64: 1, 1024>}, {transform_indices = @transform_11, window_bounds = array<i64: 512, 1024>}]} {
    %get3A = arith.constant 0 : index
    %get3A_0 = arith.constant 0 : index
    %get3A_1 = vector.load %arg1[%get3A, %get3A_0] : memref<512x256xbf16, #tpu.memory_space<vmem>>, vector<512x256xbf16>
    %get3A_2 = arith.constant 0 : index
    %get3A_3 = arith.constant 0 : index
    %get3A_4 = vector.load %arg2[%get3A_2, %get3A_3] : memref<256x1024xbf16, #tpu.memory_space<vmem>>, vector<256x1024xbf16>
    %dot_general3A = arith.constant dense<0.000000e+00> : vector<512x1024xf32>
    %dot_general3A_5 = tpu.matmul %get3A_1, %get3A_4, %dot_general3A {dimension_numbers = #tpu.dot_dimension_numbers<[1], [0], [0], [1], [0, 0, 1, 1], [], []>, transpose_lhs_hint = false} : vector<512x256xbf16>, vector<256x1024xbf16>, vector<512x1024xf32> -> vector<512x1024xf32>
    %get3A_6 = arith.constant 0 : index
    %get3A_7 = arith.constant 0 : index
    %get3A_8 = vector.load %arg3[%get3A_6, %get3A_7] : memref<1x1024xf32, #tpu.memory_space<vmem>>, vector<1x1024xf32>
    %add3A = vector.broadcast %get3A_8 : vector<1x1024xf32> to vector<512x1024xf32>
    %add3A_9 = arith.addf %dot_general3A_5, %add3A : vector<512x1024xf32>
    %get3A_10 = arith.constant 0 : index
    %get3A_11 = arith.constant 0 : index
    %get3A_12 = vector.load %arg4[%get3A_10, %get3A_11] : memref<1x1024xf32, #tpu.memory_space<vmem>>, vector<1x1024xf32>
    %get3A_13 = arith.constant 0 : index
    %get3A_14 = arith.constant 0 : index
    %get3A_15 = vector.load %arg5[%get3A_13, %get3A_14] : memref<1x1024xf32, #tpu.memory_space<vmem>>, vector<1x1024xf32>
    %reduce_sum3A = arith.constant dense<0.000000e+00> : vector<512xf32>
    %reduce_sum3A_16 = vector.multi_reduction <add>, %add3A_9, %reduce_sum3A [1] : vector<512x1024xf32> to vector<512xf32>
    %broadcast_in_dim3A = vector.shape_cast %reduce_sum3A_16 : vector<512xf32> to vector<512x1xf32>
    %div3A = arith.constant 1.024000e+03 : f32
    %div3A_17 = vector.broadcast %div3A : f32 to vector<512x1xf32>
    %div3A_18 = arith.divf %broadcast_in_dim3A, %div3A_17 : vector<512x1xf32>
    %jit3A = arith.constant 0 : i32
    %reduce_sum3A_19 = arith.constant dense<0.000000e+00> : vector<512xf32>
    %reduce_sum3A_20 = vector.multi_reduction <add>, %add3A_9, %reduce_sum3A_19 [1] : vector<512x1024xf32> to vector<512xf32>
    %broadcast_in_dim3A_21 = vector.shape_cast %reduce_sum3A_20 : vector<512xf32> to vector<512x1xf32>
    %div3A_22 = arith.constant 1.024000e+03 : f32
    %div3A_23 = vector.broadcast %div3A_22 : f32 to vector<512x1xf32>
    %div3A_24 = arith.divf %broadcast_in_dim3A_21, %div3A_23 : vector<512x1xf32>
    %sub3A = vector.broadcast %div3A_24 : vector<512x1xf32> to vector<512x1024xf32>
    %sub3A_25 = arith.subf %add3A_9, %sub3A : vector<512x1024xf32>
    %square3A = arith.mulf %sub3A_25, %sub3A_25 : vector<512x1024xf32>
    %convert_element_type3A = arith.sitofp %jit3A : i32 to f32
    %sub3A_26 = arith.constant 1.024000e+03 : f32
    %sub3A_27 = arith.subf %sub3A_26, %convert_element_type3A : f32
    %reduce_sum3A_28 = arith.constant dense<0.000000e+00> : vector<512xf32>
    %reduce_sum3A_29 = vector.multi_reduction <add>, %square3A, %reduce_sum3A_28 [1] : vector<512x1024xf32> to vector<512xf32>
    %broadcast_in_dim3A_30 = vector.shape_cast %reduce_sum3A_29 : vector<512xf32> to vector<512x1xf32>
    %div3A_31 = vector.broadcast %sub3A_27 : f32 to vector<512x1xf32>
    %div3A_32 = arith.divf %broadcast_in_dim3A_30, %div3A_31 : vector<512x1xf32>
    %gt3A = arith.constant 0.000000e+00 : f32
    %gt3A_33 = arith.cmpf ogt, %sub3A_27, %gt3A : f32
    %jit3A_34 = arith.constant 0x7FC00000 : f32
    %broadcast_in_dim3A_35 = vector.broadcast %jit3A_34 : f32 to vector<512x1xf32>
    %select_n3A = arith.select %gt3A_33, %div3A_32, %broadcast_in_dim3A_35 : vector<512x1xf32>
    %sub3A_36 = vector.broadcast %div3A_18 : vector<512x1xf32> to vector<512x1024xf32>
    %sub3A_37 = arith.subf %add3A_9, %sub3A_36 : vector<512x1024xf32>
    %add3A_38 = arith.constant 9.99999974E-6 : f32
    %add3A_39 = vector.broadcast %add3A_38 : f32 to vector<512x1xf32>
    %add3A_40 = arith.addf %select_n3A, %add3A_39 : vector<512x1xf32>
    %sqrt3A = math.sqrt %add3A_40 : vector<512x1xf32>
    %div3A_41 = vector.broadcast %sqrt3A : vector<512x1xf32> to vector<512x1024xf32>
    %div3A_42 = arith.divf %sub3A_37, %div3A_41 : vector<512x1024xf32>
    %mul3A = vector.broadcast %get3A_12 : vector<1x1024xf32> to vector<512x1024xf32>
    %mul3A_43 = arith.mulf %div3A_42, %mul3A : vector<512x1024xf32>
    %add3A_44 = vector.broadcast %get3A_15 : vector<1x1024xf32> to vector<512x1024xf32>
    %add3A_45 = arith.addf %mul3A_43, %add3A_44 : vector<512x1024xf32>
    %max3A = arith.constant 0.000000e+00 : f32
    %max3A_46 = vector.broadcast %max3A : f32 to vector<512x1024xf32>
    %max3A_47 = arith.maximumf %add3A_45, %max3A_46 : vector<512x1024xf32>
    %convert_element_type3A_48 = arith.truncf %max3A_47 : vector<512x1024xf32> to vector<512x1024xbf16>
    %get3A_49 = arith.constant 0 : index
    %get3A_50 = arith.constant 0 : index
    %get3A_51 = vector.load %arg6[%get3A_49, %get3A_50] : memref<1024x2048xbf16, #tpu.memory_space<vmem>>, vector<1024x2048xbf16>
    %dot_general3A_52 = arith.constant dense<0.000000e+00> : vector<512x2048xf32>
    %dot_general3A_53 = tpu.matmul %convert_element_type3A_48, %get3A_51, %dot_general3A_52 {dimension_numbers = #tpu.dot_dimension_numbers<[1], [0], [0], [1], [0, 0, 1, 1], [], []>, transpose_lhs_hint = false} : vector<512x1024xbf16>, vector<1024x2048xbf16>, vector<512x2048xf32> -> vector<512x2048xf32>
    %get3A_54 = arith.constant 0 : index
    %get3A_55 = arith.constant 0 : index
    %get3A_56 = vector.load %arg7[%get3A_54, %get3A_55] : memref<1x2048xf32, #tpu.memory_space<vmem>>, vector<1x2048xf32>
    %add3A_57 = vector.broadcast %get3A_56 : vector<1x2048xf32> to vector<512x2048xf32>
    %add3A_58 = arith.addf %dot_general3A_53, %add3A_57 : vector<512x2048xf32>
    %get3A_59 = arith.constant 0 : index
    %get3A_60 = arith.constant 0 : index
    %get3A_61 = vector.load %arg8[%get3A_59, %get3A_60] : memref<1x2048xf32, #tpu.memory_space<vmem>>, vector<1x2048xf32>
    %get3A_62 = arith.constant 0 : index
    %get3A_63 = arith.constant 0 : index
    %get3A_64 = vector.load %arg9[%get3A_62, %get3A_63] : memref<1x2048xf32, #tpu.memory_space<vmem>>, vector<1x2048xf32>
    %reduce_sum3A_65 = arith.constant dense<0.000000e+00> : vector<512xf32>
    %reduce_sum3A_66 = vector.multi_reduction <add>, %add3A_58, %reduce_sum3A_65 [1] : vector<512x2048xf32> to vector<512xf32>
    %broadcast_in_dim3A_67 = vector.shape_cast %reduce_sum3A_66 : vector<512xf32> to vector<512x1xf32>
    %div3A_68 = arith.constant 2.048000e+03 : f32
    %div3A_69 = vector.broadcast %div3A_68 : f32 to vector<512x1xf32>
    %div3A_70 = arith.divf %broadcast_in_dim3A_67, %div3A_69 : vector<512x1xf32>
    %jit3A_71 = arith.constant 0 : i32
    %reduce_sum3A_72 = arith.constant dense<0.000000e+00> : vector<512xf32>
    %reduce_sum3A_73 = vector.multi_reduction <add>, %add3A_58, %reduce_sum3A_72 [1] : vector<512x2048xf32> to vector<512xf32>
    %broadcast_in_dim3A_74 = vector.shape_cast %reduce_sum3A_73 : vector<512xf32> to vector<512x1xf32>
    %div3A_75 = arith.constant 2.048000e+03 : f32
    %div3A_76 = vector.broadcast %div3A_75 : f32 to vector<512x1xf32>
    %div3A_77 = arith.divf %broadcast_in_dim3A_74, %div3A_76 : vector<512x1xf32>
    %sub3A_78 = vector.broadcast %div3A_77 : vector<512x1xf32> to vector<512x2048xf32>
    %sub3A_79 = arith.subf %add3A_58, %sub3A_78 : vector<512x2048xf32>
    %square3A_80 = arith.mulf %sub3A_79, %sub3A_79 : vector<512x2048xf32>
    %convert_element_type3A_81 = arith.sitofp %jit3A_71 : i32 to f32
    %sub3A_82 = arith.constant 2.048000e+03 : f32
    %sub3A_83 = arith.subf %sub3A_82, %convert_element_type3A_81 : f32
    %reduce_sum3A_84 = arith.constant dense<0.000000e+00> : vector<512xf32>
    %reduce_sum3A_85 = vector.multi_reduction <add>, %square3A_80, %reduce_sum3A_84 [1] : vector<512x2048xf32> to vector<512xf32>
    %broadcast_in_dim3A_86 = vector.shape_cast %reduce_sum3A_85 : vector<512xf32> to vector<512x1xf32>
    %div3A_87 = vector.broadcast %sub3A_83 : f32 to vector<512x1xf32>
    %div3A_88 = arith.divf %broadcast_in_dim3A_86, %div3A_87 : vector<512x1xf32>
    %gt3A_89 = arith.constant 0.000000e+00 : f32
    %gt3A_90 = arith.cmpf ogt, %sub3A_83, %gt3A_89 : f32
    %jit3A_91 = arith.constant 0x7FC00000 : f32
    %broadcast_in_dim3A_92 = vector.broadcast %jit3A_91 : f32 to vector<512x1xf32>
    %select_n3A_93 = arith.select %gt3A_90, %div3A_88, %broadcast_in_dim3A_92 : vector<512x1xf32>
    %sub3A_94 = vector.broadcast %div3A_70 : vector<512x1xf32> to vector<512x2048xf32>
    %sub3A_95 = arith.subf %add3A_58, %sub3A_94 : vector<512x2048xf32>
    %add3A_96 = arith.constant 9.99999974E-6 : f32
    %add3A_97 = vector.broadcast %add3A_96 : f32 to vector<512x1xf32>
    %add3A_98 = arith.addf %select_n3A_93, %add3A_97 : vector<512x1xf32>
    %sqrt3A_99 = math.sqrt %add3A_98 : vector<512x1xf32>
    %div3A_100 = vector.broadcast %sqrt3A_99 : vector<512x1xf32> to vector<512x2048xf32>
    %div3A_101 = arith.divf %sub3A_95, %div3A_100 : vector<512x2048xf32>
    %mul3A_102 = vector.broadcast %get3A_61 : vector<1x2048xf32> to vector<512x2048xf32>
    %mul3A_103 = arith.mulf %div3A_101, %mul3A_102 : vector<512x2048xf32>
    %add3A_104 = vector.broadcast %get3A_64 : vector<1x2048xf32> to vector<512x2048xf32>
    %add3A_105 = arith.addf %mul3A_103, %add3A_104 : vector<512x2048xf32>
    %max3A_106 = arith.constant 0.000000e+00 : f32
    %max3A_107 = vector.broadcast %max3A_106 : f32 to vector<512x2048xf32>
    %max3A_108 = arith.maximumf %add3A_105, %max3A_107 : vector<512x2048xf32>
    %convert_element_type3A_109 = arith.truncf %max3A_108 : vector<512x2048xf32> to vector<512x2048xbf16>
    %get3A_110 = arith.constant 0 : index
    %get3A_111 = arith.constant 0 : index
    %get3A_112 = vector.load %arg10[%get3A_110, %get3A_111] : memref<2048x1024xbf16, #tpu.memory_space<vmem>>, vector<2048x1024xbf16>
    %dot_general3A_113 = arith.constant dense<0.000000e+00> : vector<512x1024xf32>
    %dot_general3A_114 = tpu.matmul %convert_element_type3A_109, %get3A_112, %dot_general3A_113 {dimension_numbers = #tpu.dot_dimension_numbers<[1], [0], [0], [1], [0, 0, 1, 1], [], []>, transpose_lhs_hint = false} : vector<512x2048xbf16>, vector<2048x1024xbf16>, vector<512x1024xf32> -> vector<512x1024xf32>
    %get3A_115 = arith.constant 0 : index
    %get3A_116 = arith.constant 0 : index
    %get3A_117 = vector.load %arg11[%get3A_115, %get3A_116] : memref<1x1024xf32, #tpu.memory_space<vmem>>, vector<1x1024xf32>
    %add3A_118 = vector.broadcast %get3A_117 : vector<1x1024xf32> to vector<512x1024xf32>
    %add3A_119 = arith.addf %dot_general3A_114, %add3A_118 : vector<512x1024xf32>
    %swap3A = arith.constant 0 : index
    %swap3A_120 = arith.constant 0 : index
    %swap3A_121 = vector.load %arg12[%swap3A, %swap3A_120] : memref<512x1024xf32, #tpu.memory_space<vmem>>, vector<512x1024xf32>
    tpu.vector_store %arg12[%swap3A, %swap3A_120], %add3A_119 {strides = array<i32>} : memref<512x1024xf32, #tpu.memory_space<vmem>>, vector<512x1024xf32>,
    return
  }
  func.func @transform_0(%arg0: i32) -> (i32, i32) {
    %c0_i32 = arith.constant 0 : i32
    %c0_i32_0 = arith.constant 0 : i32
    return %arg0, %c0_i32 : i32, i32
  }
  func.func @transform_1(%arg0: i32) -> (i32, i32) {
    %c0_i32 = arith.constant 0 : i32
    %c0_i32_0 = arith.constant 0 : i32
    %c0_i32_1 = arith.constant 0 : i32
    return %c0_i32, %c0_i32_0 : i32, i32
  }
  func.func @transform_2(%arg0: i32) -> (i32, i32) {
    %c0_i32 = arith.constant 0 : i32
    %c0_i32_0 = arith.constant 0 : i32
    %c0_i32_1 = arith.constant 0 : i32
    return %c0_i32, %c0_i32_0 : i32, i32
  }
  func.func @transform_3(%arg0: i32) -> (i32, i32) {
    %c0_i32 = arith.constant 0 : i32
    %c0_i32_0 = arith.constant 0 : i32
    %c0_i32_1 = arith.constant 0 : i32
    return %c0_i32, %c0_i32_0 : i32, i32
  }
  func.func @transform_4(%arg0: i32) -> (i32, i32) {
    %c0_i32 = arith.constant 0 : i32
    %c0_i32_0 = arith.constant 0 : i32
    %c0_i32_1 = arith.constant 0 : i32
    return %c0_i32, %c0_i32_0 : i32, i32
  }
  func.func @transform_5(%arg0: i32) -> (i32, i32) {
    %c0_i32 = arith.constant 0 : i32
    %c0_i32_0 = arith.constant 0 : i32
    %c0_i32_1 = arith.constant 0 : i32
    return %c0_i32, %c0_i32_0 : i32, i32
  }
  func.func @transform_6(%arg0: i32) -> (i32, i32) {
    %c0_i32 = arith.constant 0 : i32
    %c0_i32_0 = arith.constant 0 : i32
    %c0_i32_1 = arith.constant 0 : i32
    return %c0_i32, %c0_i32_0 : i32, i32
  }
  func.func @transform_7(%arg0: i32) -> (i32, i32) {
    %c0_i32 = arith.constant 0 : i32
    %c0_i32_0 = arith.constant 0 : i32
    %c0_i32_1 = arith.constant 0 : i32
    return %c0_i32, %c0_i32_0 : i32, i32
  }
  func.func @transform_8(%arg0: i32) -> (i32, i32) {
    %c0_i32 = arith.constant 0 : i32
    %c0_i32_0 = arith.constant 0 : i32
    %c0_i32_1 = arith.constant 0 : i32
    return %c0_i32, %c0_i32_0 : i32, i32
  }
  func.func @transform_9(%arg0: i32) -> (i32, i32) {
    %c0_i32 = arith.constant 0 : i32
    %c0_i32_0 = arith.constant 0 : i32
    %c0_i32_1 = arith.constant 0 : i32
    return %c0_i32, %c0_i32_0 : i32, i32
  }
  func.func @transform_10(%arg0: i32) -> (i32, i32) {
    %c0_i32 = arith.constant 0 : i32
    %c0_i32_0 = arith.constant 0 : i32
    %c0_i32_1 = arith.constant 0 : i32
    return %c0_i32, %c0_i32_0 : i32, i32
  }
  func.func @transform_11(%arg0: i32) -> (i32, i32) {
    %c0_i32 = arith.constant 0 : i32
    %c0_i32_0 = arith.constant 0 : i32
    return %arg0, %c0_i32 : i32, i32
  }
}

</mosaic_0001>

<sc_bundles>
// kernel: sparse-core-data-format-call.1.cloned.1.call-start
scs
called_computation.1_lowered:
.L_overlay_start_0:
0x0: {  	s2 =	sld [smem:$0x3FD9]  }
0x1: {  	s3 =	sld [smem:$0x3FFE];
	_ =	sdelay $0x1  }
0x2: {  	s1 =	srdreg.scid  }
0x3: {  	s0 =	sand.u32 $0x1, s1  }
0x4: {  	s16 =	sshll.u32 s0, $0xA;
	s2 =	sadd.s32 s3, s2  }
0x5: {  	s2 =	sadd.s32 s2, s16  }
0x6: {  	[smem:$0x3FAC] =	sst s2  }
0x7: {  	_ = 	snop  }
0x8: {  	s2 =	sld [smem:$0x3FD0];
	_ =	sdelay $0x2  }
0x9: {  	s17 =	simm.s32 $0xD;
	s4 =	simm.s32 $0x10  }
0xa: {  	[smem:s4], [sflag:s17] =	dma.local [hbm:s2], $0x1  }
0xb: {  	_ =	swait.eq [sflag:s17], $0x1  }
0xc: {  	[sflag:s17] =	ssyncset.done $0x0  }
0xd: {  	[sflag:s17] =	ssyncadd.s32 $0xFFFFFFFF  }
0xe: {  	s18 =	sld [smem:$0x11];
	(tm) =	ssettm $0x1  }
0xf: {  	s19 =	sld [smem:$0x3FFB];
	_ =	sdelay $0x3  }
0x10: {  	_ =	strace s19  }
0x11: {  	s2 =	sld [smem:$0x3FFC];
	_ =	sdelay $0x3  }
0x12: {  	_ =	strace s2  }
0x13: {  	s2 =	sld [smem:$0x3FFD];
	_ =	sdelay $0x3  }
0x14: {  	_ =	strace s2  }
0x15: {  	_ =	strace $0x8FFFFFFF  }
0x16: {  	s20 =	sld [smem:$0x3FDB];
	_ =	sdelay $0x1  }
0x17: {  	s21 =	simm.s32 $_scs_section_size  }
0x18: {  	s5 =	simm.s32 $_size__tile_overlayer_lowered;
	s6 =	simm.s32 $_tile_overlayer_lowered  }
0x19: {  	s7 =	simm.s32 $0x1BFF;
	s22 =	sshll.u32 s6, $0x1;
	s4 =	sadd.s32 s21, s20  }
0x1a: {  	s23 =	simm.s32 $0x0;
	s5 =	sshll.u32 s5, $0x1;
	s6 =	sadd.s32 s22, s4  }
0x1b: {  	[timem:s23], [sflag:s7] =	dma.local [hbm:s6], s5  }
0x1c: {  	_ =	swait.ge [sflag:s7], s5  }
0x1d: {  	s5 =	ssub.s32 $0x0, s5;
	[sflag:s7] =	ssyncset.done $0x0  }
0x1e: {  	[sflag:s7] =	ssyncadd.s32 s5;
	_ =	sdelay $0x1  }
0x1f: {  	s24 =	simm.s32 $0x1B8B  }
0x20: {  	_ =	swait.ge [sflag:s24], $0x1  }
0x21: {  	[sflag:s24] =	ssyncset.done $0x0  }
0x22: {  	[sflag:s24] =	ssyncadd.s32 $0xFFFFFFFF  }
0x23: {  	s5 =	sld [smem:$0x0]  }
0x24: {  	s6 =	sand.u32 $0xFFFFFFFE, s1  }
0x25: {  	p0 =	sne.s32 s1, s6  }
0x26: {  	s6 =	sshll.u32 @p0 s6, $0xE  }
0x27: {  	s6 =	sadd.s32 @p0 $0x11B8D, s6;
	s7 =	sshll.u32 @p0 s5, $0x11  }
0x28: {  	s6 =	sor.u32 @p0 s7, s6  }
0x29: {  	[sflag:s6] =	ssyncadd.remote.s32 @p0 $0x1;
	_ =	sdelay $0x1  }
0x2a: {  	s6 =	simm.s32 @p0 $0x1B8D  }
0x2b: {  	_ =	swait.eq @p0 [sflag:s6], $0x1  }
0x2c: {  	[sflag:s6] =	ssyncadd.s32 @p0 $0xFFFFFFFF  }
0x2d: {  	s7 =	sshll.u32 @!p0 s1, $0xE  }
0x2e: {  	s7 =	sor.u32 @!p0 $0x4000, s7;
	s6 =	simm.s32 @!p0 $0x1B8D  }
0x2f: {  	s5 =	sshll.u32 @!p0 s5, $0x11;
	s7 =	sadd.s32 @!p0 $0x11B8D, s7;
	_ =	swait.eq @!p0 [sflag:s6], $0x1  }
0x30: {  	s5 =	sor.u32 @!p0 s5, s7;
	[sflag:s6] =	ssyncadd.s32 @!p0 $0xFFFFFFFF  }
0x31: {  	s26 =	simm.s32 $0x1B8E;
	s25 =	sld [smem:$0x3FFE];
	[sflag:s5] =	ssyncadd.remote.s32 @!p0 $0x1  }
0x32: {  	s27 =	simm.s32 $execute0_lowered;
	[smem:$0x3FD2] =	sst s26  }
0x33: {  	s6 =	sshll.u32 s27, $0x1;
	_ =	strace $0x8000004F;
	[dreg:$0x1] =	wrdreg $0xFFFFFFFF  }
0x34: {  	s28 =	simm.s32 $_size_execute0_lowered;
	s4 =	sadd.s32 s4, s6;
	[dreg:$0x0] =	wrdreg $0x0  }
0x35: {  	s6 =	sshll.u32 s28, $0x1;
	[dreg:$0x2] =	wrdreg s4  }
0x36: {  	[dreg:$0x3] =	wrdreg s6  }
0x37: {  	[dreg:$0x4] =	wrdreg $0xC0  }
0x38: {  	_ =	task [dreg:s23], $0x5FFFF  }
0x39: {  	[dreg:$0x1] =	wrdreg $0xFFFFFFFF  }
0x3a: {  	[dreg:$0x0] =	wrdreg $0x60  }
0x3b: {  	[dreg:$0x2] =	wrdreg s18  }
0x3c: {  	[dreg:$0x3] =	wrdreg s25  }
0x3d: {  	[dreg:$0x4] =	wrdreg $0xA  }
0x3e: {  	_ =	task.clear_ibuf [dreg:s23], $0x5FFFF;
	_ =	strace $0x9000004F  }
0x3f: {  	s29 =	simm.s32 $0xA;
	_ =	strace $0x80000051  }
0x40: {  	_ =	swait.ge [sflag:s29], $0x1  }
0x41: {  	[sflag:s29] =	ssyncadd.s32 $0xFFFFFFFF  }
0x42: {  	_ =	strace $0x90000051  }
0x43: {  	_ =	sfence  }
0x44: {  	s30 =	sld [smem:$0x0];
	_ =	sdelay $0x2  }
0x45: {  	s31 =	sshll.u32 s1, $0xD;
	s1 =	sshrl.u32 s1, $0x2  }
0x46: {  	s4 =	sand.u32 $0x4000, s31;
	s1 =	sadd.s32 s1, s30  }
0x47: {  	s0 =	sor.u32 s4, s0;
	s1 =	sshll.u32 s1, $0x11  }
0x48: {  	s0 =	sor.u32 s1, s0  }
0x49: {  	s0 =	sadd.s32 $0x8F2B, s0  }
0x4a: {  	[sflag:s0] =	ssyncadd.remote.s32 $0x1  }
0x4b: {  	_ =	sfence.sel $0xFFFF  }
0x4c: {  	[dreg:$0x0] =	wrdreg $0xFFFFFFFF;
	(pc) =	sbr.abs _section_cstart, $3  }
0x4d: {  	[dreg:$0x1] =	wrdreg $0xFFFFFFFF  }
0x4e: {  	_ =	task.clear_ibuf [dreg:s23], $0x2FFFF;
	_ =	strace $0x9FFFFFFF  }
0x4f: {  	(tm) =	ssettm $0x7FFFFFFF  }
tec
execute0_lowered:
.L_overlay_start_1:
0x0: {  	(tag) =	ssettag $0x1  }
0x1: {  	s2 =	rddreg [dreg:$0x0]  }
0x2: {  	s1 =	rddreg [dreg:$0x1]  }
0x3: {  	s0 =	rddreg [dreg:$0x2]  }
0x4: {  	_ =	strace $0x80000050;
	s4 =	srdreg.scid;
	s6 =	simm.s32 $0x2  }
0x5: {  	s11 =	simm.s32 $0x0;
	p0 =	por $0x0, $0x0;
	s7 =	simm.s32 $0x1000  }
.Ltmp0:
0x6: {  	s12 =	simm.s32 $0x0;
	s9 =	simm.s32 $0x0;
	(pc) =	sbr.rel .LBB1_1-.Ltmp0, $4  }
0x7: {  	s8 =	simm.s32 $0x0;
	s3 =	sadd.s32 $0xA66600, s1;
	s5 =	sshll.u32 s4, $0x4  }
0x8: {  	s1 =	stileid.u32;
	s4 =	simm.s32 $0x1;
	s5 =	sand.u32 $0x10, s5  }
0x9: {  	s18 =	simm.s32 $0x0;
	[sflag:s4] =	ssyncpa.u1 $0x0;
	s5 =	sor.u32 s1, s5  }
0xa: {  	[sflag:s6] =	ssyncpa.u1 $0x0;
	s6 =	simm.s32 $0x800;
	s10 =	smov.u32 s5  }
.LBB1_7:
0xb: {  	s13 =	sadd.s32 $0x8, s9  }
0xc: {  	s11 =	sadd.s32 $0x20, s10;
	s15 =	smov.u32 s10;
	p2 =	sgt.s32 s13, $0xF  }
0xd: {  	p1 =	slt.u32 s8, $0x2;
	s15 =	smov.u32 @p2 s11  }
0xe: {  	s8 =	sadd.s32 $0x1, s8;
	s13 =	simm.s32 @p2 $0x0;
	p2 =	sgt.s32 s15, $0x1FF  }
0xf: {  	s15 =	smov.u32 @p2 s5;
	p2 =	sne.s32 s8, $0x22  }
.Ltmp1:
0x10: {  	_ = 	snop;
	(pc) =	sbr.rel @!p2 .LBB1_8-.Ltmp1, $4  }
0x11: {  	s14 =	simm.s32 @!p1 $0x2  }
0x12: {  	s12 =	smov.u32 s10;
	_ =	swait.ge @!p1 [sflag:s14], $0x4000  }
0x13: {  	p0 =	por !p0, !p0;
	s11 =	smov.u32 s9;
	[sflag:s14] =	ssyncset.done @!p1 $0x0  }
0x14: {  	s9 =	smov.u32 s13;
	[sflag:s14] =	ssyncadd.s32 @!p1 $0xFFFFC000;
	s10 =	smov.u32 s15  }
.LBB1_1:
0x15: {  	p1 =	sgt.u32 s8, $0x1F  }
0x16: {  	s13 =	sxor.u32 @!p1 $0xFFFFFFFF, s8;
	s14 =	sshll.u32 @!p1 s10, $0xC  }
0x17: {  	s15 =	sshll.u32 @!p1 s9, $0x8;
	s13 =	sshll.u32 @!p1 s13, $0xE;
	s14 =	sadd.s32 @!p1 s2, s14  }
0x18: {  	s13 =	sand.u32 @!p1 $0x4000, s13;
	s14 =	sadd.s32 @!p1 s15, s14;
	s15 =	simm.s32 @!p1 $0x0  }
0x19: {  	[tilespmem:s13], [sflag:$0x1] =	stream.linear.gather @!p1 [hbm4b:s14+s15], $0x4000, $0x38;
	[tilespmem:$0x10000] =	vst v63  }
0x1a: {  	p1 =	seq.s32 s8, $0x0  }
0x1b: {  	p2 =	seq.s32 @!p1 s8, $0x21  }
0x1c: {  	p1 =	por p1, p2  }
.Ltmp2:
0x1d: {  	_ = 	snop;
	(pc) =	sbr.rel @p1 .LBB1_7-.Ltmp2, $1  }
0x1e: {  	_ =	sdelay $0x3  }
0x1f: {  	s13 =	simm.s32 $0x1  }
0x20: {  	_ =	swait.ge [sflag:s4], $0x4000;
	s31 =	sshll.u32 s8, $0xE;
	p1 =	por $0x0, $0x0  }
0x21: {  	s19 =	simm.s32 $0x0;
	s20 =	simm.s32 $0x0;
	s13 =	simm.s32 @!p0 $0x0  }
0x22: {  	[sflag:s4] =	ssyncset.done $0x0;
	s16 =	sand.u32 $0x4000, s31;
	s13 =	sshll.u32 s13, $0x10  }
0x23: {  	[sflag:s4] =	ssyncadd.s32 $0xFFFFC000;
	s17 =	sshrl.u32 s13, $0x2;
	s13 =	sor.u32 $0x8000, s16  }
0x24: {  	s14 =	sor.u32 $0x40, s17;
	s15 =	sor.u32 $0x8410, s17;
	s17 =	sadd.s32 $0x8400, s17  }
.LBB1_3:
0x25: {  	v1 =	vld [tilespmem:s14+$0xFFFFFFD0]  }
0x26: {  	v2 =	vld [tilespmem:s14+$0x430]  }
0x27: {  	s21 =	sshll.u32 s20, $0xB;
	v4 =	vld [tilespmem:s14+$0xFFFFFFE0]  }
0x28: {  	v7 =	vld [tilespmem:s14+$0xFFFFFFF0];
	v0 =	vmov s21  }
0x29: {  	v8 =	vld [tilespmem:s14+$0x0]  }
0x2a: {  	s30 =	sand.u32 $0x300, s18;
	v9 =	vld [tilespmem:s14+$0x10]  }
0x2b: {  	s22 =	sand.u32 $0x80, s18;
	v10 =	vld [tilespmem:s14+$0x20];
	s21 =	sadd.s32 s30, s16  }
0x2c: {  	v11 =	vld [tilespmem:s14+$0x30];
	s21 =	sadd.s32 s22, s21;
	s22 =	simm.s32 $0x1;
	[tilespmem:s15+$0x60] =	vst v2  }
0x2d: {  	s31 =	sshll.u32 s19, $0x2;
	s22 =	simm.s32 @!p1 $0x0;
	[tilespmem:s15+$0xFFFFFC00] =	vst v1;
	v3 =	vld.idx.msk [tilespmem:v0+s21+$0x400 ss:$0x1], $0xffff  }
0x2e: {  	v6 =	vld [tilespmem:s14+$0x3D0];
	s22 =	sshll.u32 s22, $0x9;
	[tilespmem:s15+$0xFFFFFC10] =	vst v4;
	s21 =	sand.u32 $0xFFFFFC00, s31  }
0x2f: {  	v5 =	vld [tilespmem:s14+$0x3E0];
	[tilespmem:s15+$0xFFFFFC20] =	vst v7;
	s21 =	sor.u32 s22, s21  }
0x30: {  	[tilespmem:s15+$0xFFFFFC30] =	vst v8;
	v4 =	vld [tilespmem:s14+$0x400];
	s21 =	sshrl.u32 s21, $0x2  }
0x31: {  	[tilespmem:s15+$0xFFFFFC40] =	vst v9;
	v1 =	vld [tilespmem:s14+$0x410];
	s21 =	sadd.s32 s21, s17  }
0x32: {  	[tilespmem:s21+$0x0] =	vst v3;
	v3 =	vld [tilespmem:s14+$0x3F0]  }
0x33: {  	s25 =	simm.s32 $0x80;
	s24 =	simm.s32 $0x100;
	[tilespmem:s15+$0xFFFFFC50] =	vst v10;
	v2 =	vld [tilespmem:s14+$0x420]  }
0x34: {  	s23 =	smov.u32 s15;
	s26 =	sand.u32 $0x300, s25;
	v7 =	vld [tilespmem:s14+$0xFFFFFFC0];
	[tilespmem:s15+$0xFFFFFC60] =	vst v11;
	s22 =	sadd.s32 $0x80, s14  }
.LBB1_4:
0x35: {  	p2 =	sne.s32 s24, $0x380;
	v8 =	vld [tilespmem:s22+$0xFFFFFFD0];
	s25 =	sand.u32 $0x80, s25;
	s26 =	sadd.s32 s26, s16;
	[tilespmem:s23+$0x0] =	vst v6  }
0x36: {  	s26 =	sadd.s32 s25, s26;
	v6 =	vld [tilespmem:s22+$0x430];
	[tilespmem:s23+$0x10] =	vst v5;
	s25 =	smov.u32 s24  }
0x37: {  	v5 =	vld.idx.msk [tilespmem:v0+s26+$0x400 ss:$0x1], $0xffff;
	[tilespmem:s23+$0x20] =	vst v3  }
0x38: {  	v3 =	vld [tilespmem:s22+$0xFFFFFFE0];
	[tilespmem:s23+$0x30] =	vst v4  }
0x39: {  	v4 =	vld [tilespmem:s22+$0xFFFFFFF0];
	[tilespmem:s23+$0xFFFFFBF0] =	vst v7  }
0x3a: {  	v7 =	vld [tilespmem:s22+$0x0];
	[tilespmem:s23+$0x40] =	vst v1  }
0x3b: {  	v1 =	vld [tilespmem:s22+$0x10];
	[tilespmem:s23+$0x50] =	vst v2;
	s23 =	sadd.s32 $0x800, s23  }
0x3c: {  	s21 =	sadd.s32 $0x800, s21;
	v2 =	vld [tilespmem:s22+$0x20];
	[tilespmem:s23+$0x60] =	vst v6  }
0x3d: {  	v9 =	vld [tilespmem:s22+$0x30];
	[tilespmem:s21+$0x0] =	vst v5  }
0x3e: {  	[tilespmem:s23+$0xFFFFFC00] =	vst v8;
	v6 =	vld [tilespmem:s22+$0x3D0]  }
0x3f: {  	[tilespmem:s23+$0xFFFFFC10] =	vst v3;
	v5 =	vld [tilespmem:s22+$0x3E0]  }
.Ltmp3:
0x40: {  	[tilespmem:s23+$0xFFFFFC20] =	vst v4;
	v3 =	vld [tilespmem:s22+$0x3F0];
	(pc) =	sbr.rel @p2 .LBB1_4-.Ltmp3, $4  }
0x41: {  	[tilespmem:s23+$0xFFFFFC30] =	vst v7;
	v4 =	vld [tilespmem:s22+$0x400]  }
0x42: {  	[tilespmem:s23+$0xFFFFFC40] =	vst v1;
	v1 =	vld [tilespmem:s22+$0x410]  }
0x43: {  	[tilespmem:s23+$0xFFFFFC50] =	vst v2;
	v2 =	vld [tilespmem:s22+$0x420]  }
0x44: {  	s24 =	sadd.s32 $0x80, s24;
	s26 =	sand.u32 $0x300, s25;
	v7 =	vld [tilespmem:s22+$0xFFFFFFC0];
	[tilespmem:s23+$0xFFFFFC60] =	vst v9;
	s22 =	sadd.s32 $0x80, s22  }
0x45: {  	[tilespmem:s23+$0x0] =	vst v6  }
0x46: {  	[tilespmem:s23+$0x10] =	vst v5  }
0x47: {  	v49 =	vld [tilespmem:s22+$0x430];
	[tilespmem:s23+$0x20] =	vst v3  }
0x48: {  	v50 =	vld [tilespmem:s22+$0xFFFFFFD0];
	[tilespmem:s23+$0x30] =	vst v4  }
0x49: {  	v51 =	vld [tilespmem:s22+$0xFFFFFFE0];
	[tilespmem:s23+$0x40] =	vst v1  }
0x4a: {  	v52 =	vld [tilespmem:s22+$0xFFFFFFF0];
	[tilespmem:s23+$0x50] =	vst v2  }
0x4b: {  	s31 =	sadd.s32 $0x800, s23;
	v53 =	vld [tilespmem:s22+$0x0];
	[tilespmem:s23+$0xFFFFFBF0] =	vst v7  }
0x4c: {  	v54 =	vld [tilespmem:s22+$0x10];
	[tilespmem:s31+$0x60] =	vst v49  }
0x4d: {  	v55 =	vld [tilespmem:s22+$0x20];
	[tilespmem:s31+$0xFFFFFC00] =	vst v50  }
0x4e: {  	v56 =	vld [tilespmem:s22+$0x30];
	[tilespmem:s31+$0xFFFFFC10] =	vst v51  }
0x4f: {  	v57 =	vld [tilespmem:s22+$0x3D0];
	[tilespmem:s31+$0xFFFFFC20] =	vst v52  }
0x50: {  	v58 =	vld [tilespmem:s22+$0x3E0];
	[tilespmem:s31+$0xFFFFFC30] =	vst v53  }
0x51: {  	v59 =	vld [tilespmem:s22+$0x3F0];
	[tilespmem:s31+$0xFFFFFC40] =	vst v54  }
0x52: {  	v60 =	vld [tilespmem:s22+$0x400];
	[tilespmem:s31+$0xFFFFFC50] =	vst v55  }
0x53: {  	v61 =	vld [tilespmem:s22+$0xFFFFFFC0];
	[tilespmem:s31+$0xFFFFFC60] =	vst v56  }
0x54: {  	s24 =	sand.u32 $0x80, s25;
	s30 =	sadd.s32 s26, s16;
	v62 =	vld [tilespmem:s22+$0x410];
	[tilespmem:s31+$0x0] =	vst v57  }
0x55: {  	v63 =	vld [tilespmem:s22+$0x420];
	s20 =	sadd.s32 $0x1, s20;
	s24 =	sadd.s32 s24, s30;
	[tilespmem:s31+$0x10] =	vst v58  }
0x56: {  	p2 =	sne.s32 s20, $0x8;
	v0 =	vld.idx.msk [tilespmem:v0+s24+$0x400 ss:$0x1], $0xffff;
	[tilespmem:s31+$0x20] =	vst v59  }
.Ltmp4:
0x57: {  	[tilespmem:s31+$0x30] =	vst v60;
	(pc) =	sbr.rel @p2 .LBB1_3-.Ltmp4, $4  }
0x58: {  	[tilespmem:s31+$0xFFFFFBF0] =	vst v61  }
0x59: {  	[tilespmem:s31+$0x40] =	vst v62  }
0x5a: {  	s21 =	sadd.s32 $0x800, s21;
	s14 =	sadd.s32 $0x800, s14;
	[tilespmem:s31+$0x50] =	vst v63  }
0x5b: {  	s19 =	sadd.s32 $0x80, s19;
	p1 =	por !p1, !p1;
	s15 =	sadd.s32 $0x80, s15;
	[tilespmem:s21+$0x0] =	vst v0  }
0x5c: {  	s14 =	sshll.u32 s11, $0x8;
	s31 =	sshll.u32 s11, $0x7  }
.Ltmp5:
0x5d: {  	s14 =	sand.u32 $0x800, s14;
	s11 =	sand.u32 $0x380, s31;
	(pc) =	sbr.rel .LBB1_7-.Ltmp5, $4  }
0x5e: {  	s12 =	sshll.u32 s12, $0xC;
	s11 =	sor.u32 s11, s14  }
0x5f: {  	s12 =	sadd.s32 s3, s12;
	s11 =	sshrl.u32 s11, $0x3  }
0x60: {  	s11 =	sadd.s32 s11, s12  }
0x61: {  	[hbm4b:s11+s6] =	stream.strided.scatter [tilespmem:s13], [sflag:$0x2], $0x4000, s7, s6, $0x38;
	[tilespmem:$0x10000] =	vst v63  }
.LBB1_8:
0x62: {  	_ =	sfence.sel $0x180000  }
0x63: {  	s2 =	simm.s32 $0x1;
	[bflag:$0x0] =	sbarrier.arrive $0xFFFF  }
0x64: {  	s31 =	simm.s32 $0x2;
	[sflag:s2] =	ssyncpa.u1 $0x1  }
0x65: {  	[sflag:s31] =	ssyncpa.u1 $0x1  }
0x66: {  	p0 =	sne.s32 s1, $0x0;
	_ =	strace $0x90000050  }
0x67: {  	s0 =	sadd.s32 @!p0 $0x100000, s0;
	[bflag:$0x2] =	sbarrier.arrive $0xFFFF  }
0x68: {  	[sflag:s0] =	ssyncadd.tile.s32 @!p0 $0x1;
	_ =	shalt  }
.Lfunc_end1:
_tile_overlayer_lowered:
.L_overlay_start_2:
0x69: {  	(tag) =	ssettag $0x2  }
0x6a: {  	s0 =	rddreg [dreg:$0x0];
	s2 =	stileid.u32  }
0x6b: {  	s1 =	rddreg [dreg:$0x1];
	p0 =	sne.s32 s2, $0x0  }
0x6c: {  	s3 =	rddreg [dreg:$0x2];
	[bflag:$0x3] =	sbarrier.arrive $0xFFFF;
	s2 =	simm.s32 @!p0 $0x1C01  }
0x6d: {  	[timem:s3], [sflag:s2] =	dma.local @!p0 [hbm:s0], s1  }
0x6e: {  	s0 =	simm.s32 @!p0 $0x1  }
0x6f: {  	_ =	swait.ge @!p0 [sflag:s0], s1  }
0x70: {  	s1 =	ssub.s32 @!p0 $0x0, s1;
	[sflag:s0] =	ssyncset.done @!p0 $0x0  }
0x71: {  	[sflag:s0] =	ssyncadd.s32 @!p0 s1  }
0x72: {  	[bflag:$0x3] =	sbarrier.arrive $0xFFFF  }
0x73: {  	_ =	shalt  }

// kernel: sparse-core-data-format-call.2.cloned.1.call-start
scs
called_computation.2_lowered:
.L_overlay_start_0:
0x0: {  	s1 =	sld [smem:$0x3FD9]  }
0x1: {  	s2 =	sld [smem:$0x3FFE];
	_ =	sdelay $0x1  }
0x2: {  	s3 =	srdreg.scid  }
0x3: {  	s0 =	sand.u32 $0x1, s3  }
0x4: {  	s17 =	sshll.u32 s0, $0xA;
	s1 =	sadd.s32 s2, s1  }
0x5: {  	s1 =	sadd.s32 s1, s17  }
0x6: {  	[smem:$0x3FAC] =	sst s1  }
0x7: {  	_ = 	snop  }
0x8: {  	(tm) =	ssettm $0x1  }
0x9: {  	s18 =	sld [smem:$0x3FFB];
	_ =	sdelay $0x3  }
0xa: {  	_ =	strace s18  }
0xb: {  	s1 =	sld [smem:$0x3FFC];
	_ =	sdelay $0x3  }
0xc: {  	_ =	strace s1  }
0xd: {  	s1 =	sld [smem:$0x3FFD];
	_ =	sdelay $0x3  }
0xe: {  	_ =	strace s1  }
0xf: {  	_ =	strace $0x8FFFFFFF  }
0x10: {  	s19 =	sld [smem:$0x3FDB];
	_ =	sdelay $0x1  }
0x11: {  	s20 =	simm.s32 $_scs_section_size  }
0x12: {  	s4 =	simm.s32 $_size__tile_overlayer_lowered;
	s5 =	simm.s32 $_tile_overlayer_lowered  }
0x13: {  	s23 =	simm.s32 $0x1BFF;
	s22 =	sshll.u32 s5, $0x1;
	s1 =	sadd.s32 s20, s19  }
0x14: {  	s6 =	simm.s32 $0x0;
	s21 =	sshll.u32 s4, $0x1;
	s4 =	sadd.s32 s22, s1  }
0x15: {  	[timem:s6], [sflag:s23] =	dma.local [hbm:s4], s21  }
0x16: {  	_ =	swait.ge [sflag:s23], s21  }
0x17: {  	s2 =	ssub.s32 $0x0, s21;
	[sflag:s23] =	ssyncset.done $0x0  }
0x18: {  	[sflag:s23] =	ssyncadd.s32 s2;
	_ =	sdelay $0x1  }
0x19: {  	s24 =	simm.s32 $0x1B8B  }
0x1a: {  	_ =	swait.ge [sflag:s24], $0x1  }
0x1b: {  	[sflag:s24] =	ssyncset.done $0x0  }
0x1c: {  	s26 =	simm.s32 $0x1B8E;
	s25 =	sld [smem:$0x3FFE];
	[sflag:s24] =	ssyncadd.s32 $0xFFFFFFFF  }
0x1d: {  	s27 =	simm.s32 $execute0_lowered;
	[smem:$0x3FD2] =	sst s26  }
0x1e: {  	s4 =	sshll.u32 s27, $0x1;
	_ =	strace $0x80000046;
	[dreg:$0x1] =	wrdreg $0xFFFFFFFF  }
0x1f: {  	s28 =	simm.s32 $_size_execute0_lowered;
	s1 =	sadd.s32 s1, s4;
	[dreg:$0x0] =	wrdreg $0x0  }
0x20: {  	s4 =	sshll.u32 s28, $0x1;
	[dreg:$0x2] =	wrdreg s1  }
0x21: {  	[dreg:$0x3] =	wrdreg s4  }
0x22: {  	[dreg:$0x4] =	wrdreg $0xC0  }
0x23: {  	_ =	task [dreg:s6], $0x5FFFF  }
0x24: {  	[dreg:$0x1] =	wrdreg $0xFFFFFFFF  }
0x25: {  	[dreg:$0x0] =	wrdreg $0x60  }
0x26: {  	[dreg:$0x2] =	wrdreg s25  }
0x27: {  	[dreg:$0x3] =	wrdreg $0xB  }
0x28: {  	_ =	task.clear_ibuf [dreg:s6], $0x4FFFF;
	_ =	strace $0x90000046  }
0x29: {  	s29 =	simm.s32 $0xB;
	_ =	strace $0x80000048  }
0x2a: {  	_ =	swait.ge [sflag:s29], $0x1  }
0x2b: {  	[sflag:s29] =	ssyncadd.s32 $0xFFFFFFFF  }
0x2c: {  	_ =	strace $0x90000048  }
0x2d: {  	_ =	sfence  }
0x2e: {  	s30 =	sld [smem:$0x0];
	_ =	sdelay $0x2  }
0x2f: {  	s31 =	sshll.u32 s3, $0xD;
	s3 =	sshrl.u32 s3, $0x2  }
0x30: {  	s2 =	sand.u32 $0x4000, s31;
	s1 =	sadd.s32 s3, s30  }
0x31: {  	s0 =	sor.u32 s2, s0;
	s1 =	sshll.u32 s1, $0x11  }
0x32: {  	s0 =	sor.u32 s1, s0  }
0x33: {  	s0 =	sadd.s32 $0x8F2B, s0  }
0x34: {  	[sflag:s0] =	ssyncadd.remote.s32 $0x1  }
0x35: {  	_ =	sfence.sel $0xFFFF  }
0x36: {  	[dreg:$0x0] =	wrdreg $0xFFFFFFFF;
	(pc) =	sbr.abs _section_cstart, $3  }
0x37: {  	[dreg:$0x1] =	wrdreg $0xFFFFFFFF  }
0x38: {  	_ =	task.clear_ibuf [dreg:s6], $0x2FFFF;
	_ =	strace $0x9FFFFFFF  }
0x39: {  	(tm) =	ssettm $0x7FFFFFFF  }
tec
execute0_lowered:
.L_overlay_start_1:
0x0: {  	(tag) =	ssettag $0x1  }
0x1: {  	s1 =	rddreg [dreg:$0x0]  }
0x2: {  	s0 =	rddreg [dreg:$0x1];
	_ =	strace $0x80000047  }
0x3: {  	s4 =	srdreg.scid;
	s6 =	simm.s32 $0x2;
	s11 =	simm.s32 $0x0  }
0x4: {  	p0 =	por $0x0, $0x0;
	s7 =	simm.s32 $0x1000;
	s12 =	simm.s32 $0x0  }
.Ltmp0:
0x5: {  	s9 =	simm.s32 $0x0;
	s8 =	simm.s32 $0x0;
	(pc) =	sbr.rel .LBB1_1-.Ltmp0, $4  }
0x6: {  	s2 =	sadd.s32 $0x46600, s1;
	s3 =	sadd.s32 $0x466600, s1;
	s5 =	sshll.u32 s4, $0x4  }
0x7: {  	s1 =	stileid.u32;
	s4 =	simm.s32 $0x1;
	s5 =	sand.u32 $0x10, s5  }
0x8: {  	s18 =	simm.s32 $0x0;
	[sflag:s4] =	ssyncpa.u1 $0x0;
	s5 =	sor.u32 s1, s5  }
0x9: {  	[sflag:s6] =	ssyncpa.u1 $0x0;
	s6 =	simm.s32 $0x800;
	s10 =	smov.u32 s5  }
.LBB1_7:
0xa: {  	s13 =	sadd.s32 $0x8, s9  }
0xb: {  	s11 =	sadd.s32 $0x20, s10;
	s15 =	smov.u32 s10;
	p2 =	sgt.s32 s13, $0xF  }
0xc: {  	p1 =	slt.u32 s8, $0x2;
	s15 =	smov.u32 @p2 s11  }
0xd: {  	s8 =	sadd.s32 $0x1, s8;
	s13 =	simm.s32 @p2 $0x0;
	p2 =	sgt.s32 s15, $0x1FF  }
0xe: {  	s15 =	smov.u32 @p2 s5;
	p2 =	sne.s32 s8, $0x22  }
.Ltmp1:
0xf: {  	_ = 	snop;
	(pc) =	sbr.rel @!p2 .LBB1_8-.Ltmp1, $4  }
0x10: {  	s14 =	simm.s32 @!p1 $0x2  }
0x11: {  	s12 =	smov.u32 s10;
	_ =	swait.ge @!p1 [sflag:s14], $0x4000  }
0x12: {  	p0 =	por !p0, !p0;
	s11 =	smov.u32 s9;
	[sflag:s14] =	ssyncset.done @!p1 $0x0  }
0x13: {  	s9 =	smov.u32 s13;
	[sflag:s14] =	ssyncadd.s32 @!p1 $0xFFFFC000;
	s10 =	smov.u32 s15  }
.LBB1_1:
0x14: {  	p1 =	sgt.u32 s8, $0x1F  }
0x15: {  	s13 =	sxor.u32 @!p1 $0xFFFFFFFF, s8;
	s14 =	sshll.u32 @!p1 s10, $0xC  }
0x16: {  	s15 =	sshll.u32 @!p1 s9, $0x8;
	s13 =	sshll.u32 @!p1 s13, $0xE;
	s14 =	sadd.s32 @!p1 s2, s14  }
0x17: {  	s13 =	sand.u32 @!p1 $0x4000, s13;
	s14 =	sadd.s32 @!p1 s15, s14;
	s15 =	simm.s32 @!p1 $0x0  }
0x18: {  	[tilespmem:s13], [sflag:$0x1] =	stream.linear.gather @!p1 [hbm4b:s14+s15], $0x4000, $0x38;
	[tilespmem:$0x10000] =	vst v63  }
0x19: {  	p1 =	seq.s32 s8, $0x0  }
0x1a: {  	p2 =	seq.s32 @!p1 s8, $0x21  }
0x1b: {  	p1 =	por p1, p2  }
.Ltmp2:
0x1c: {  	_ = 	snop;
	(pc) =	sbr.rel @p1 .LBB1_7-.Ltmp2, $1  }
0x1d: {  	_ =	sdelay $0x3  }
0x1e: {  	s13 =	simm.s32 $0x1  }
0x1f: {  	_ =	swait.ge [sflag:s4], $0x4000;
	s31 =	sshll.u32 s8, $0xE;
	p1 =	por $0x0, $0x0  }
0x20: {  	s19 =	simm.s32 $0x0;
	s20 =	simm.s32 $0x0;
	s13 =	simm.s32 @!p0 $0x0  }
0x21: {  	[sflag:s4] =	ssyncset.done $0x0;
	s16 =	sand.u32 $0x4000, s31;
	s13 =	sshll.u32 s13, $0x10  }
0x22: {  	[sflag:s4] =	ssyncadd.s32 $0xFFFFC000;
	s17 =	sshrl.u32 s13, $0x2;
	s13 =	sor.u32 $0x8000, s16  }
0x23: {  	s14 =	sor.u32 $0x40, s17;
	s15 =	sor.u32 $0x8410, s17;
	s17 =	sadd.s32 $0x8400, s17  }
.LBB1_3:
0x24: {  	v1 =	vld [tilespmem:s14+$0xFFFFFFD0]  }
0x25: {  	v2 =	vld [tilespmem:s14+$0x430]  }
0x26: {  	s21 =	sshll.u32 s20, $0xB;
	v4 =	vld [tilespmem:s14+$0xFFFFFFE0]  }
0x27: {  	v7 =	vld [tilespmem:s14+$0xFFFFFFF0];
	v0 =	vmov s21  }
0x28: {  	v8 =	vld [tilespmem:s14+$0x0]  }
0x29: {  	s30 =	sand.u32 $0x300, s18;
	v9 =	vld [tilespmem:s14+$0x10]  }
0x2a: {  	s22 =	sand.u32 $0x80, s18;
	v10 =	vld [tilespmem:s14+$0x20];
	s21 =	sadd.s32 s30, s16  }
0x2b: {  	v11 =	vld [tilespmem:s14+$0x30];
	s21 =	sadd.s32 s22, s21;
	s22 =	simm.s32 $0x1;
	[tilespmem:s15+$0x60] =	vst v2  }
0x2c: {  	s31 =	sshll.u32 s19, $0x2;
	s22 =	simm.s32 @!p1 $0x0;
	[tilespmem:s15+$0xFFFFFC00] =	vst v1;
	v3 =	vld.idx.msk [tilespmem:v0+s21+$0x400 ss:$0x1], $0xffff  }
0x2d: {  	v6 =	vld [tilespmem:s14+$0x3D0];
	s22 =	sshll.u32 s22, $0x9;
	[tilespmem:s15+$0xFFFFFC10] =	vst v4;
	s21 =	sand.u32 $0xFFFFFC00, s31  }
0x2e: {  	v5 =	vld [tilespmem:s14+$0x3E0];
	[tilespmem:s15+$0xFFFFFC20] =	vst v7;
	s21 =	sor.u32 s22, s21  }
0x2f: {  	[tilespmem:s15+$0xFFFFFC30] =	vst v8;
	v4 =	vld [tilespmem:s14+$0x400];
	s21 =	sshrl.u32 s21, $0x2  }
0x30: {  	[tilespmem:s15+$0xFFFFFC40] =	vst v9;
	v1 =	vld [tilespmem:s14+$0x410];
	s21 =	sadd.s32 s21, s17  }
0x31: {  	[tilespmem:s21+$0x0] =	vst v3;
	v3 =	vld [tilespmem:s14+$0x3F0]  }
0x32: {  	s25 =	simm.s32 $0x80;
	s24 =	simm.s32 $0x100;
	[tilespmem:s15+$0xFFFFFC50] =	vst v10;
	v2 =	vld [tilespmem:s14+$0x420]  }
0x33: {  	s23 =	smov.u32 s15;
	s26 =	sand.u32 $0x300, s25;
	v7 =	vld [tilespmem:s14+$0xFFFFFFC0];
	[tilespmem:s15+$0xFFFFFC60] =	vst v11;
	s22 =	sadd.s32 $0x80, s14  }
.LBB1_4:
0x34: {  	p2 =	sne.s32 s24, $0x380;
	v8 =	vld [tilespmem:s22+$0xFFFFFFD0];
	s25 =	sand.u32 $0x80, s25;
	s26 =	sadd.s32 s26, s16;
	[tilespmem:s23+$0x0] =	vst v6  }
0x35: {  	s26 =	sadd.s32 s25, s26;
	v6 =	vld [tilespmem:s22+$0x430];
	[tilespmem:s23+$0x10] =	vst v5;
	s25 =	smov.u32 s24  }
0x36: {  	v5 =	vld.idx.msk [tilespmem:v0+s26+$0x400 ss:$0x1], $0xffff;
	[tilespmem:s23+$0x20] =	vst v3  }
0x37: {  	v3 =	vld [tilespmem:s22+$0xFFFFFFE0];
	[tilespmem:s23+$0x30] =	vst v4  }
0x38: {  	v4 =	vld [tilespmem:s22+$0xFFFFFFF0];
	[tilespmem:s23+$0xFFFFFBF0] =	vst v7  }
0x39: {  	v7 =	vld [tilespmem:s22+$0x0];
	[tilespmem:s23+$0x40] =	vst v1  }
0x3a: {  	v1 =	vld [tilespmem:s22+$0x10];
	[tilespmem:s23+$0x50] =	vst v2;
	s23 =	sadd.s32 $0x800, s23  }
0x3b: {  	s21 =	sadd.s32 $0x800, s21;
	v2 =	vld [tilespmem:s22+$0x20];
	[tilespmem:s23+$0x60] =	vst v6  }
0x3c: {  	v9 =	vld [tilespmem:s22+$0x30];
	[tilespmem:s21+$0x0] =	vst v5  }
0x3d: {  	[tilespmem:s23+$0xFFFFFC00] =	vst v8;
	v6 =	vld [tilespmem:s22+$0x3D0]  }
0x3e: {  	[tilespmem:s23+$0xFFFFFC10] =	vst v3;
	v5 =	vld [tilespmem:s22+$0x3E0]  }
.Ltmp3:
0x3f: {  	[tilespmem:s23+$0xFFFFFC20] =	vst v4;
	v3 =	vld [tilespmem:s22+$0x3F0];
	(pc) =	sbr.rel @p2 .LBB1_4-.Ltmp3, $4  }
0x40: {  	[tilespmem:s23+$0xFFFFFC30] =	vst v7;
	v4 =	vld [tilespmem:s22+$0x400]  }
0x41: {  	[tilespmem:s23+$0xFFFFFC40] =	vst v1;
	v1 =	vld [tilespmem:s22+$0x410]  }
0x42: {  	[tilespmem:s23+$0xFFFFFC50] =	vst v2;
	v2 =	vld [tilespmem:s22+$0x420]  }
0x43: {  	s24 =	sadd.s32 $0x80, s24;
	s26 =	sand.u32 $0x300, s25;
	v7 =	vld [tilespmem:s22+$0xFFFFFFC0];
	[tilespmem:s23+$0xFFFFFC60] =	vst v9;
	s22 =	sadd.s32 $0x80, s22  }
0x44: {  	[tilespmem:s23+$0x0] =	vst v6  }
0x45: {  	[tilespmem:s23+$0x10] =	vst v5  }
0x46: {  	v49 =	vld [tilespmem:s22+$0x430];
	[tilespmem:s23+$0x20] =	vst v3  }
0x47: {  	v50 =	vld [tilespmem:s22+$0xFFFFFFD0];
	[tilespmem:s23+$0x30] =	vst v4  }
0x48: {  	v51 =	vld [tilespmem:s22+$0xFFFFFFE0];
	[tilespmem:s23+$0x40] =	vst v1  }
0x49: {  	v52 =	vld [tilespmem:s22+$0xFFFFFFF0];
	[tilespmem:s23+$0x50] =	vst v2  }
0x4a: {  	s31 =	sadd.s32 $0x800, s23;
	v53 =	vld [tilespmem:s22+$0x0];
	[tilespmem:s23+$0xFFFFFBF0] =	vst v7  }
0x4b: {  	v54 =	vld [tilespmem:s22+$0x10];
	[tilespmem:s31+$0x60] =	vst v49  }
0x4c: {  	v55 =	vld [tilespmem:s22+$0x20];
	[tilespmem:s31+$0xFFFFFC00] =	vst v50  }
0x4d: {  	v56 =	vld [tilespmem:s22+$0x30];
	[tilespmem:s31+$0xFFFFFC10] =	vst v51  }
0x4e: {  	v57 =	vld [tilespmem:s22+$0x3D0];
	[tilespmem:s31+$0xFFFFFC20] =	vst v52  }
0x4f: {  	v58 =	vld [tilespmem:s22+$0x3E0];
	[tilespmem:s31+$0xFFFFFC30] =	vst v53  }
0x50: {  	v59 =	vld [tilespmem:s22+$0x3F0];
	[tilespmem:s31+$0xFFFFFC40] =	vst v54  }
0x51: {  	v60 =	vld [tilespmem:s22+$0x400];
	[tilespmem:s31+$0xFFFFFC50] =	vst v55  }
0x52: {  	v61 =	vld [tilespmem:s22+$0xFFFFFFC0];
	[tilespmem:s31+$0xFFFFFC60] =	vst v56  }
0x53: {  	s24 =	sand.u32 $0x80, s25;
	s30 =	sadd.s32 s26, s16;
	v62 =	vld [tilespmem:s22+$0x410];
	[tilespmem:s31+$0x0] =	vst v57  }
0x54: {  	v63 =	vld [tilespmem:s22+$0x420];
	s20 =	sadd.s32 $0x1, s20;
	s24 =	sadd.s32 s24, s30;
	[tilespmem:s31+$0x10] =	vst v58  }
0x55: {  	p2 =	sne.s32 s20, $0x8;
	v0 =	vld.idx.msk [tilespmem:v0+s24+$0x400 ss:$0x1], $0xffff;
	[tilespmem:s31+$0x20] =	vst v59  }
.Ltmp4:
0x56: {  	[tilespmem:s31+$0x30] =	vst v60;
	(pc) =	sbr.rel @p2 .LBB1_3-.Ltmp4, $4  }
0x57: {  	[tilespmem:s31+$0xFFFFFBF0] =	vst v61  }
0x58: {  	[tilespmem:s31+$0x40] =	vst v62  }
0x59: {  	s21 =	sadd.s32 $0x800, s21;
	s14 =	sadd.s32 $0x800, s14;
	[tilespmem:s31+$0x50] =	vst v63  }
0x5a: {  	s19 =	sadd.s32 $0x80, s19;
	p1 =	por !p1, !p1;
	s15 =	sadd.s32 $0x80, s15;
	[tilespmem:s21+$0x0] =	vst v0  }
0x5b: {  	s14 =	sshll.u32 s11, $0x8;
	s31 =	sshll.u32 s11, $0x7  }
.Ltmp5:
0x5c: {  	s14 =	sand.u32 $0x800, s14;
	s11 =	sand.u32 $0x380, s31;
	(pc) =	sbr.rel .LBB1_7-.Ltmp5, $4  }
0x5d: {  	s12 =	sshll.u32 s12, $0xC;
	s11 =	sor.u32 s11, s14  }
0x5e: {  	s12 =	sadd.s32 s3, s12;
	s11 =	sshrl.u32 s11, $0x3  }
0x5f: {  	s11 =	sadd.s32 s11, s12  }
0x60: {  	[hbm4b:s11+s6] =	stream.strided.scatter [tilespmem:s13], [sflag:$0x2], $0x4000, s7, s6, $0x38;
	[tilespmem:$0x10000] =	vst v63  }
.LBB1_8:
0x61: {  	_ =	sfence.sel $0x180000  }
0x62: {  	s2 =	simm.s32 $0x1;
	[bflag:$0x0] =	sbarrier.arrive $0xFFFF  }
0x63: {  	s31 =	simm.s32 $0x2;
	[sflag:s2] =	ssyncpa.u1 $0x1  }
0x64: {  	[sflag:s31] =	ssyncpa.u1 $0x1  }
0x65: {  	p0 =	sne.s32 s1, $0x0;
	_ =	strace $0x90000047  }
0x66: {  	s0 =	sadd.s32 @!p0 $0x100000, s0;
	[bflag:$0x2] =	sbarrier.arrive $0xFFFF  }
0x67: {  	[sflag:s0] =	ssyncadd.tile.s32 @!p0 $0x1;
	_ =	shalt  }
.Lfunc_end1:
_tile_overlayer_lowered:
.L_overlay_start_2:
0x68: {  	(tag) =	ssettag $0x2  }
0x69: {  	s0 =	rddreg [dreg:$0x0];
	s2 =	stileid.u32  }
0x6a: {  	s1 =	rddreg [dreg:$0x1];
	p0 =	sne.s32 s2, $0x0  }
0x6b: {  	s3 =	rddreg [dreg:$0x2];
	[bflag:$0x3] =	sbarrier.arrive $0xFFFF;
	s2 =	simm.s32 @!p0 $0x1C01  }
0x6c: {  	[timem:s3], [sflag:s2] =	dma.local @!p0 [hbm:s0], s1  }
0x6d: {  	s0 =	simm.s32 @!p0 $0x1  }
0x6e: {  	_ =	swait.ge @!p0 [sflag:s0], s1  }
0x6f: {  	s1 =	ssub.s32 @!p0 $0x0, s1;
	[sflag:s0] =	ssyncset.done @!p0 $0x0  }
0x70: {  	[sflag:s0] =	ssyncadd.s32 @!p0 s1  }
0x71: {  	[bflag:$0x3] =	sbarrier.arrive $0xFFFF  }
0x72: {  	_ =	shalt  }

// kernel: sparse-core-data-format-call.3.cloned.1.call-start
scs
called_computation.3_lowered:
.L_overlay_start_0:
0x0: {  	s2 =	sld [smem:$0x3FD9]  }
0x1: {  	s3 =	sld [smem:$0x3FFE];
	_ =	sdelay $0x1  }
0x2: {  	s1 =	srdreg.scid  }
0x3: {  	s0 =	sand.u32 $0x1, s1  }
0x4: {  	s16 =	sshll.u32 s0, $0xA;
	s2 =	sadd.s32 s3, s2  }
0x5: {  	s2 =	sadd.s32 s2, s16  }
0x6: {  	[smem:$0x3FAC] =	sst s2  }
0x7: {  	_ = 	snop  }
0x8: {  	s2 =	sld [smem:$0x3FD0];
	_ =	sdelay $0x2  }
0x9: {  	s17 =	simm.s32 $0xD;
	s4 =	simm.s32 $0x10  }
0xa: {  	[smem:s4], [sflag:s17] =	dma.local [hbm:s2], $0x1  }
0xb: {  	_ =	swait.eq [sflag:s17], $0x1  }
0xc: {  	[sflag:s17] =	ssyncset.done $0x0  }
0xd: {  	[sflag:s17] =	ssyncadd.s32 $0xFFFFFFFF  }
0xe: {  	s18 =	sld [smem:$0x12];
	(tm) =	ssettm $0x1  }
0xf: {  	s19 =	sld [smem:$0x3FFB];
	_ =	sdelay $0x3  }
0x10: {  	_ =	strace s19  }
0x11: {  	s2 =	sld [smem:$0x3FFC];
	_ =	sdelay $0x3  }
0x12: {  	_ =	strace s2  }
0x13: {  	s2 =	sld [smem:$0x3FFD];
	_ =	sdelay $0x3  }
0x14: {  	_ =	strace s2  }
0x15: {  	_ =	strace $0x8FFFFFFF  }
0x16: {  	s20 =	sld [smem:$0x3FDB];
	_ =	sdelay $0x1  }
0x17: {  	s21 =	simm.s32 $_scs_section_size  }
0x18: {  	s5 =	simm.s32 $_size__tile_overlayer_lowered;
	s6 =	simm.s32 $_tile_overlayer_lowered  }
0x19: {  	s7 =	simm.s32 $0x1BFF;
	s22 =	sshll.u32 s6, $0x1;
	s4 =	sadd.s32 s21, s20  }
0x1a: {  	s23 =	simm.s32 $0x0;
	s5 =	sshll.u32 s5, $0x1;
	s6 =	sadd.s32 s22, s4  }
0x1b: {  	[timem:s23], [sflag:s7] =	dma.local [hbm:s6], s5  }
0x1c: {  	_ =	swait.ge [sflag:s7], s5  }
0x1d: {  	s5 =	ssub.s32 $0x0, s5;
	[sflag:s7] =	ssyncset.done $0x0  }
0x1e: {  	[sflag:s7] =	ssyncadd.s32 s5;
	_ =	sdelay $0x1  }
0x1f: {  	s24 =	simm.s32 $0x1B8B  }
0x20: {  	_ =	swait.ge [sflag:s24], $0x1  }
0x21: {  	[sflag:s24] =	ssyncset.done $0x0  }
0x22: {  	[sflag:s24] =	ssyncadd.s32 $0xFFFFFFFF  }
0x23: {  	s5 =	sld [smem:$0x0]  }
0x24: {  	s6 =	sand.u32 $0xFFFFFFFE, s1  }
0x25: {  	p0 =	sne.s32 s1, s6  }
0x26: {  	s6 =	sshll.u32 @p0 s6, $0xE  }
0x27: {  	s6 =	sadd.s32 @p0 $0x11B8D, s6;
	s7 =	sshll.u32 @p0 s5, $0x11  }
0x28: {  	s6 =	sor.u32 @p0 s7, s6  }
0x29: {  	[sflag:s6] =	ssyncadd.remote.s32 @p0 $0x1;
	_ =	sdelay $0x1  }
0x2a: {  	s6 =	simm.s32 @p0 $0x1B8D  }
0x2b: {  	_ =	swait.eq @p0 [sflag:s6], $0x1  }
0x2c: {  	[sflag:s6] =	ssyncadd.s32 @p0 $0xFFFFFFFF  }
0x2d: {  	s7 =	sshll.u32 @!p0 s1, $0xE  }
0x2e: {  	s7 =	sor.u32 @!p0 $0x4000, s7;
	s6 =	simm.s32 @!p0 $0x1B8D  }
0x2f: {  	s5 =	sshll.u32 @!p0 s5, $0x11;
	s7 =	sadd.s32 @!p0 $0x11B8D, s7;
	_ =	swait.eq @!p0 [sflag:s6], $0x1  }
0x30: {  	s5 =	sor.u32 @!p0 s5, s7;
	[sflag:s6] =	ssyncadd.s32 @!p0 $0xFFFFFFFF  }
0x31: {  	s26 =	simm.s32 $0x1B8E;
	s25 =	sld [smem:$0x3FFE];
	[sflag:s5] =	ssyncadd.remote.s32 @!p0 $0x1  }
0x32: {  	s27 =	simm.s32 $execute0_lowered;
	[smem:$0x3FD2] =	sst s26  }
0x33: {  	s6 =	sshll.u32 s27, $0x1;
	_ =	strace $0x80000049;
	[dreg:$0x1] =	wrdreg $0xFFFFFFFF  }
0x34: {  	s28 =	simm.s32 $_size_execute0_lowered;
	s4 =	sadd.s32 s4, s6;
	[dreg:$0x0] =	wrdreg $0x0  }
0x35: {  	s6 =	sshll.u32 s28, $0x1;
	[dreg:$0x2] =	wrdreg s4  }
0x36: {  	[dreg:$0x3] =	wrdreg s6  }
0x37: {  	[dreg:$0x4] =	wrdreg $0xC0  }
0x38: {  	_ =	task [dreg:s23], $0x5FFFF  }
0x39: {  	[dreg:$0x1] =	wrdreg $0xFFFFFFFF  }
0x3a: {  	[dreg:$0x0] =	wrdreg $0x60  }
0x3b: {  	[dreg:$0x2] =	wrdreg s18  }
0x3c: {  	[dreg:$0x3] =	wrdreg s25  }
0x3d: {  	[dreg:$0x4] =	wrdreg $0xC  }
0x3e: {  	_ =	task.clear_ibuf [dreg:s23], $0x5FFFF;
	_ =	strace $0x90000049  }
0x3f: {  	s29 =	simm.s32 $0xC;
	_ =	strace $0x8000004B  }
0x40: {  	_ =	swait.ge [sflag:s29], $0x1  }
0x41: {  	[sflag:s29] =	ssyncadd.s32 $0xFFFFFFFF  }
0x42: {  	_ =	strace $0x9000004B  }
0x43: {  	_ =	sfence  }
0x44: {  	s30 =	sld [smem:$0x0];
	_ =	sdelay $0x2  }
0x45: {  	s31 =	sshll.u32 s1, $0xD;
	s1 =	sshrl.u32 s1, $0x2  }
0x46: {  	s4 =	sand.u32 $0x4000, s31;
	s1 =	sadd.s32 s1, s30  }
0x47: {  	s0 =	sor.u32 s4, s0;
	s1 =	sshll.u32 s1, $0x11  }
0x48: {  	s0 =	sor.u32 s1, s0  }
0x49: {  	s0 =	sadd.s32 $0x8F2B, s0  }
0x4a: {  	[sflag:s0] =	ssyncadd.remote.s32 $0x1  }
0x4b: {  	_ =	sfence.sel $0xFFFF  }
0x4c: {  	[dreg:$0x0] =	wrdreg $0xFFFFFFFF;
	(pc) =	sbr.abs _section_cstart, $3  }
0x4d: {  	[dreg:$0x1] =	wrdreg $0xFFFFFFFF  }
0x4e: {  	_ =	task.clear_ibuf [dreg:s23], $0x2FFFF;
	_ =	strace $0x9FFFFFFF  }
0x4f: {  	(tm) =	ssettm $0x7FFFFFFF  }
tec
execute0_lowered:
.L_overlay_start_1:
0x0: {  	(tag) =	ssettag $0x1  }
0x1: {  	s2 =	rddreg [dreg:$0x0]  }
0x2: {  	s1 =	rddreg [dreg:$0x1]  }
0x3: {  	s0 =	rddreg [dreg:$0x2]  }
0x4: {  	_ =	strace $0x8000004A;
	s4 =	srdreg.scid;
	s6 =	simm.s32 $0x2  }
0x5: {  	s11 =	simm.s32 $0x0;
	p0 =	por $0x0, $0x0;
	s7 =	simm.s32 $0x1000  }
.Ltmp0:
0x6: {  	s12 =	simm.s32 $0x0;
	s9 =	simm.s32 $0x0;
	(pc) =	sbr.rel .LBB1_1-.Ltmp0, $4  }
0x7: {  	s8 =	simm.s32 $0x0;
	s3 =	sadd.s32 $0x666600, s1;
	s5 =	sshll.u32 s4, $0x4  }
0x8: {  	s1 =	stileid.u32;
	s4 =	simm.s32 $0x1;
	s5 =	sand.u32 $0x10, s5  }
0x9: {  	s18 =	simm.s32 $0x0;
	[sflag:s4] =	ssyncpa.u1 $0x0;
	s5 =	sor.u32 s1, s5  }
0xa: {  	[sflag:s6] =	ssyncpa.u1 $0x0;
	s6 =	simm.s32 $0x800;
	s10 =	smov.u32 s5  }
.LBB1_7:
0xb: {  	s13 =	sadd.s32 $0x8, s9  }
0xc: {  	s11 =	sadd.s32 $0x20, s10;
	s15 =	smov.u32 s10;
	p2 =	sgt.s32 s13, $0xF  }
0xd: {  	p1 =	slt.u32 s8, $0x2;
	s15 =	smov.u32 @p2 s11  }
0xe: {  	s8 =	sadd.s32 $0x1, s8;
	s13 =	simm.s32 @p2 $0x0;
	p2 =	sgt.s32 s15, $0x1FF  }
0xf: {  	s15 =	smov.u32 @p2 s5;
	p2 =	sne.s32 s8, $0x22  }
.Ltmp1:
0x10: {  	_ = 	snop;
	(pc) =	sbr.rel @!p2 .LBB1_8-.Ltmp1, $4  }
0x11: {  	s14 =	simm.s32 @!p1 $0x2  }
0x12: {  	s12 =	smov.u32 s10;
	_ =	swait.ge @!p1 [sflag:s14], $0x4000  }
0x13: {  	p0 =	por !p0, !p0;
	s11 =	smov.u32 s9;
	[sflag:s14] =	ssyncset.done @!p1 $0x0  }
0x14: {  	s9 =	smov.u32 s13;
	[sflag:s14] =	ssyncadd.s32 @!p1 $0xFFFFC000;
	s10 =	smov.u32 s15  }
.LBB1_1:
0x15: {  	p1 =	sgt.u32 s8, $0x1F  }
0x16: {  	s13 =	sxor.u32 @!p1 $0xFFFFFFFF, s8;
	s14 =	sshll.u32 @!p1 s10, $0xC  }
0x17: {  	s15 =	sshll.u32 @!p1 s9, $0x8;
	s13 =	sshll.u32 @!p1 s13, $0xE;
	s14 =	sadd.s32 @!p1 s2, s14  }
0x18: {  	s13 =	sand.u32 @!p1 $0x4000, s13;
	s14 =	sadd.s32 @!p1 s15, s14;
	s15 =	simm.s32 @!p1 $0x0  }
0x19: {  	[tilespmem:s13], [sflag:$0x1] =	stream.linear.gather @!p1 [hbm4b:s14+s15], $0x4000, $0x38;
	[tilespmem:$0x10000] =	vst v63  }
0x1a: {  	p1 =	seq.s32 s8, $0x0  }
0x1b: {  	p2 =	seq.s32 @!p1 s8, $0x21  }
0x1c: {  	p1 =	por p1, p2  }
.Ltmp2:
0x1d: {  	_ = 	snop;
	(pc) =	sbr.rel @p1 .LBB1_7-.Ltmp2, $1  }
0x1e: {  	_ =	sdelay $0x3  }
0x1f: {  	s13 =	simm.s32 $0x1  }
0x20: {  	_ =	swait.ge [sflag:s4], $0x4000;
	s31 =	sshll.u32 s8, $0xE;
	p1 =	por $0x0, $0x0  }
0x21: {  	s19 =	simm.s32 $0x0;
	s20 =	simm.s32 $0x0;
	s13 =	simm.s32 @!p0 $0x0  }
0x22: {  	[sflag:s4] =	ssyncset.done $0x0;
	s16 =	sand.u32 $0x4000, s31;
	s13 =	sshll.u32 s13, $0x10  }
0x23: {  	[sflag:s4] =	ssyncadd.s32 $0xFFFFC000;
	s17 =	sshrl.u32 s13, $0x2;
	s13 =	sor.u32 $0x8000, s16  }
0x24: {  	s14 =	sor.u32 $0x40, s17;
	s15 =	sor.u32 $0x8410, s17;
	s17 =	sadd.s32 $0x8400, s17  }
.LBB1_3:
0x25: {  	v1 =	vld [tilespmem:s14+$0xFFFFFFD0]  }
0x26: {  	v2 =	vld [tilespmem:s14+$0x430]  }
0x27: {  	s21 =	sshll.u32 s20, $0xB;
	v4 =	vld [tilespmem:s14+$0xFFFFFFE0]  }
0x28: {  	v7 =	vld [tilespmem:s14+$0xFFFFFFF0];
	v0 =	vmov s21  }
0x29: {  	v8 =	vld [tilespmem:s14+$0x0]  }
0x2a: {  	s30 =	sand.u32 $0x300, s18;
	v9 =	vld [tilespmem:s14+$0x10]  }
0x2b: {  	s22 =	sand.u32 $0x80, s18;
	v10 =	vld [tilespmem:s14+$0x20];
	s21 =	sadd.s32 s30, s16  }
0x2c: {  	v11 =	vld [tilespmem:s14+$0x30];
	s21 =	sadd.s32 s22, s21;
	s22 =	simm.s32 $0x1;
	[tilespmem:s15+$0x60] =	vst v2  }
0x2d: {  	s31 =	sshll.u32 s19, $0x2;
	s22 =	simm.s32 @!p1 $0x0;
	[tilespmem:s15+$0xFFFFFC00] =	vst v1;
	v3 =	vld.idx.msk [tilespmem:v0+s21+$0x400 ss:$0x1], $0xffff  }
0x2e: {  	v6 =	vld [tilespmem:s14+$0x3D0];
	s22 =	sshll.u32 s22, $0x9;
	[tilespmem:s15+$0xFFFFFC10] =	vst v4;
	s21 =	sand.u32 $0xFFFFFC00, s31  }
0x2f: {  	v5 =	vld [tilespmem:s14+$0x3E0];
	[tilespmem:s15+$0xFFFFFC20] =	vst v7;
	s21 =	sor.u32 s22, s21  }
0x30: {  	[tilespmem:s15+$0xFFFFFC30] =	vst v8;
	v4 =	vld [tilespmem:s14+$0x400];
	s21 =	sshrl.u32 s21, $0x2  }
0x31: {  	[tilespmem:s15+$0xFFFFFC40] =	vst v9;
	v1 =	vld [tilespmem:s14+$0x410];
	s21 =	sadd.s32 s21, s17  }
0x32: {  	[tilespmem:s21+$0x0] =	vst v3;
	v3 =	vld [tilespmem:s14+$0x3F0]  }
0x33: {  	s25 =	simm.s32 $0x80;
	s24 =	simm.s32 $0x100;
	[tilespmem:s15+$0xFFFFFC50] =	vst v10;
	v2 =	vld [tilespmem:s14+$0x420]  }
0x34: {  	s23 =	smov.u32 s15;
	s26 =	sand.u32 $0x300, s25;
	v7 =	vld [tilespmem:s14+$0xFFFFFFC0];
	[tilespmem:s15+$0xFFFFFC60] =	vst v11;
	s22 =	sadd.s32 $0x80, s14  }
.LBB1_4:
0x35: {  	p2 =	sne.s32 s24, $0x380;
	v8 =	vld [tilespmem:s22+$0xFFFFFFD0];
	s25 =	sand.u32 $0x80, s25;
	s26 =	sadd.s32 s26, s16;
	[tilespmem:s23+$0x0] =	vst v6  }
0x36: {  	s26 =	sadd.s32 s25, s26;
	v6 =	vld [tilespmem:s22+$0x430];
	[tilespmem:s23+$0x10] =	vst v5;
	s25 =	smov.u32 s24  }
0x37: {  	v5 =	vld.idx.msk [tilespmem:v0+s26+$0x400 ss:$0x1], $0xffff;
	[tilespmem:s23+$0x20] =	vst v3  }
0x38: {  	v3 =	vld [tilespmem:s22+$0xFFFFFFE0];
	[tilespmem:s23+$0x30] =	vst v4  }
0x39: {  	v4 =	vld [tilespmem:s22+$0xFFFFFFF0];
	[tilespmem:s23+$0xFFFFFBF0] =	vst v7  }
0x3a: {  	v7 =	vld [tilespmem:s22+$0x0];
	[tilespmem:s23+$0x40] =	vst v1  }
0x3b: {  	v1 =	vld [tilespmem:s22+$0x10];
	[tilespmem:s23+$0x50] =	vst v2;
	s23 =	sadd.s32 $0x800, s23  }
0x3c: {  	s21 =	sadd.s32 $0x800, s21;
	v2 =	vld [tilespmem:s22+$0x20];
	[tilespmem:s23+$0x60] =	vst v6  }
0x3d: {  	v9 =	vld [tilespmem:s22+$0x30];
	[tilespmem:s21+$0x0] =	vst v5  }
0x3e: {  	[tilespmem:s23+$0xFFFFFC00] =	vst v8;
	v6 =	vld [tilespmem:s22+$0x3D0]  }
0x3f: {  	[tilespmem:s23+$0xFFFFFC10] =	vst v3;
	v5 =	vld [tilespmem:s22+$0x3E0]  }
.Ltmp3:
0x40: {  	[tilespmem:s23+$0xFFFFFC20] =	vst v4;
	v3 =	vld [tilespmem:s22+$0x3F0];
	(pc) =	sbr.rel @p2 .LBB1_4-.Ltmp3, $4  }
0x41: {  	[tilespmem:s23+$0xFFFFFC30] =	vst v7;
	v4 =	vld [tilespmem:s22+$0x400]  }
0x42: {  	[tilespmem:s23+$0xFFFFFC40] =	vst v1;
	v1 =	vld [tilespmem:s22+$0x410]  }
0x43: {  	[tilespmem:s23+$0xFFFFFC50] =	vst v2;
	v2 =	vld [tilespmem:s22+$0x420]  }
0x44: {  	s24 =	sadd.s32 $0x80, s24;
	s26 =	sand.u32 $0x300, s25;
	v7 =	vld [tilespmem:s22+$0xFFFFFFC0];
	[tilespmem:s23+$0xFFFFFC60] =	vst v9;
	s22 =	sadd.s32 $0x80, s22  }
0x45: {  	[tilespmem:s23+$0x0] =	vst v6  }
0x46: {  	[tilespmem:s23+$0x10] =	vst v5  }
0x47: {  	v49 =	vld [tilespmem:s22+$0x430];
	[tilespmem:s23+$0x20] =	vst v3  }
0x48: {  	v50 =	vld [tilespmem:s22+$0xFFFFFFD0];
	[tilespmem:s23+$0x30] =	vst v4  }
0x49: {  	v51 =	vld [tilespmem:s22+$0xFFFFFFE0];
	[tilespmem:s23+$0x40] =	vst v1  }
0x4a: {  	v52 =	vld [tilespmem:s22+$0xFFFFFFF0];
	[tilespmem:s23+$0x50] =	vst v2  }
0x4b: {  	s31 =	sadd.s32 $0x800, s23;
	v53 =	vld [tilespmem:s22+$0x0];
	[tilespmem:s23+$0xFFFFFBF0] =	vst v7  }
0x4c: {  	v54 =	vld [tilespmem:s22+$0x10];
	[tilespmem:s31+$0x60] =	vst v49  }
0x4d: {  	v55 =	vld [tilespmem:s22+$0x20];
	[tilespmem:s31+$0xFFFFFC00] =	vst v50  }
0x4e: {  	v56 =	vld [tilespmem:s22+$0x30];
	[tilespmem:s31+$0xFFFFFC10] =	vst v51  }
0x4f: {  	v57 =	vld [tilespmem:s22+$0x3D0];
	[tilespmem:s31+$0xFFFFFC20] =	vst v52  }
0x50: {  	v58 =	vld [tilespmem:s22+$0x3E0];
	[tilespmem:s31+$0xFFFFFC30] =	vst v53  }
0x51: {  	v59 =	vld [tilespmem:s22+$0x3F0];
	[tilespmem:s31+$0xFFFFFC40] =	vst v54  }
0x52: {  	v60 =	vld [tilespmem:s22+$0x400];
	[tilespmem:s31+$0xFFFFFC50] =	vst v55  }
0x53: {  	v61 =	vld [tilespmem:s22+$0xFFFFFFC0];
	[tilespmem:s31+$0xFFFFFC60] =	vst v56  }
0x54: {  	s24 =	sand.u32 $0x80, s25;
	s30 =	sadd.s32 s26, s16;
	v62 =	vld [tilespmem:s22+$0x410];
	[tilespmem:s31+$0x0] =	vst v57  }
0x55: {  	v63 =	vld [tilespmem:s22+$0x420];
	s20 =	sadd.s32 $0x1, s20;
	s24 =	sadd.s32 s24, s30;
	[tilespmem:s31+$0x10] =	vst v58  }
0x56: {  	p2 =	sne.s32 s20, $0x8;
	v0 =	vld.idx.msk [tilespmem:v0+s24+$0x400 ss:$0x1], $0xffff;
	[tilespmem:s31+$0x20] =	vst v59  }
.Ltmp4:
0x57: {  	[tilespmem:s31+$0x30] =	vst v60;
	(pc) =	sbr.rel @p2 .LBB1_3-.Ltmp4, $4  }
0x58: {  	[tilespmem:s31+$0xFFFFFBF0] =	vst v61  }
0x59: {  	[tilespmem:s31+$0x40] =	vst v62  }
0x5a: {  	s21 =	sadd.s32 $0x800, s21;
	s14 =	sadd.s32 $0x800, s14;
	[tilespmem:s31+$0x50] =	vst v63  }
0x5b: {  	s19 =	sadd.s32 $0x80, s19;
	p1 =	por !p1, !p1;
	s15 =	sadd.s32 $0x80, s15;
	[tilespmem:s21+$0x0] =	vst v0  }
0x5c: {  	s14 =	sshll.u32 s11, $0x8;
	s31 =	sshll.u32 s11, $0x7  }
.Ltmp5:
0x5d: {  	s14 =	sand.u32 $0x800, s14;
	s11 =	sand.u32 $0x380, s31;
	(pc) =	sbr.rel .LBB1_7-.Ltmp5, $4  }
0x5e: {  	s12 =	sshll.u32 s12, $0xC;
	s11 =	sor.u32 s11, s14  }
0x5f: {  	s12 =	sadd.s32 s3, s12;
	s11 =	sshrl.u32 s11, $0x3  }
0x60: {  	s11 =	sadd.s32 s11, s12  }
0x61: {  	[hbm4b:s11+s6] =	stream.strided.scatter [tilespmem:s13], [sflag:$0x2], $0x4000, s7, s6, $0x38;
	[tilespmem:$0x10000] =	vst v63  }
.LBB1_8:
0x62: {  	_ =	sfence.sel $0x180000  }
0x63: {  	s2 =	simm.s32 $0x1;
	[bflag:$0x0] =	sbarrier.arrive $0xFFFF  }
0x64: {  	s31 =	simm.s32 $0x2;
	[sflag:s2] =	ssyncpa.u1 $0x1  }
0x65: {  	[sflag:s31] =	ssyncpa.u1 $0x1  }
0x66: {  	p0 =	sne.s32 s1, $0x0;
	_ =	strace $0x9000004A  }
0x67: {  	s0 =	sadd.s32 @!p0 $0x100000, s0;
	[bflag:$0x2] =	sbarrier.arrive $0xFFFF  }
0x68: {  	[sflag:s0] =	ssyncadd.tile.s32 @!p0 $0x1;
	_ =	shalt  }
.Lfunc_end1:
_tile_overlayer_lowered:
.L_overlay_start_2:
0x69: {  	(tag) =	ssettag $0x2  }
0x6a: {  	s0 =	rddreg [dreg:$0x0];
	s2 =	stileid.u32  }
0x6b: {  	s1 =	rddreg [dreg:$0x1];
	p0 =	sne.s32 s2, $0x0  }
0x6c: {  	s3 =	rddreg [dreg:$0x2];
	[bflag:$0x3] =	sbarrier.arrive $0xFFFF;
	s2 =	simm.s32 @!p0 $0x1C01  }
0x6d: {  	[timem:s3], [sflag:s2] =	dma.local @!p0 [hbm:s0], s1  }
0x6e: {  	s0 =	simm.s32 @!p0 $0x1  }
0x6f: {  	_ =	swait.ge @!p0 [sflag:s0], s1  }
0x70: {  	s1 =	ssub.s32 @!p0 $0x0, s1;
	[sflag:s0] =	ssyncset.done @!p0 $0x0  }
0x71: {  	[sflag:s0] =	ssyncadd.s32 @!p0 s1  }
0x72: {  	[bflag:$0x3] =	sbarrier.arrive $0xFFFF  }
0x73: {  	_ =	shalt  }

// kernel: sparse-core-data-format-call.cloned.1.call-start
scs
called_computation_lowered:
.L_overlay_start_0:
0x0: {  	s2 =	sld [smem:$0x3FD9]  }
0x1: {  	s3 =	sld [smem:$0x3FFE];
	_ =	sdelay $0x1  }
0x2: {  	s1 =	srdreg.scid  }
0x3: {  	s0 =	sand.u32 $0x1, s1  }
0x4: {  	s18 =	sshll.u32 s0, $0xA;
	s2 =	sadd.s32 s3, s2  }
0x5: {  	s2 =	sadd.s32 s2, s18  }
0x6: {  	[smem:$0x3FAC] =	sst s2  }
0x7: {  	_ = 	snop  }
0x8: {  	(tm) =	ssettm $0x1  }
0x9: {  	s19 =	sld [smem:$0x3FFB];
	_ =	sdelay $0x3  }
0xa: {  	_ =	strace s19  }
0xb: {  	s2 =	sld [smem:$0x3FFC];
	_ =	sdelay $0x3  }
0xc: {  	_ =	strace s2  }
0xd: {  	s2 =	sld [smem:$0x3FFD];
	_ =	sdelay $0x3  }
0xe: {  	_ =	strace s2  }
0xf: {  	_ =	strace $0x8FFFFFFF  }
0x10: {  	s20 =	sld [smem:$0x3FDB];
	_ =	sdelay $0x1  }
0x11: {  	s21 =	simm.s32 $_scs_section_size  }
0x12: {  	s4 =	simm.s32 $_size__tile_overlayer_lowered;
	s5 =	simm.s32 $_tile_overlayer_lowered  }
0x13: {  	s6 =	simm.s32 $0x1BFF;
	s22 =	sshll.u32 s5, $0x1;
	s3 =	sadd.s32 s21, s20  }
0x14: {  	s23 =	simm.s32 $0x0;
	s4 =	sshll.u32 s4, $0x1;
	s5 =	sadd.s32 s22, s3  }
0x15: {  	[timem:s23], [sflag:s6] =	dma.local [hbm:s5], s4  }
0x16: {  	_ =	swait.ge [sflag:s6], s4  }
0x17: {  	s4 =	ssub.s32 $0x0, s4;
	[sflag:s6] =	ssyncset.done $0x0  }
0x18: {  	[sflag:s6] =	ssyncadd.s32 s4;
	_ =	sdelay $0x1  }
0x19: {  	s24 =	simm.s32 $0x1B8B  }
0x1a: {  	_ =	swait.ge [sflag:s24], $0x1  }
0x1b: {  	[sflag:s24] =	ssyncset.done $0x0  }
0x1c: {  	[sflag:s24] =	ssyncadd.s32 $0xFFFFFFFF  }
0x1d: {  	s4 =	sld [smem:$0x0]  }
0x1e: {  	s5 =	sand.u32 $0xFFFFFFFE, s1  }
0x1f: {  	p0 =	sne.s32 s1, s5  }
0x20: {  	s5 =	sshll.u32 @p0 s5, $0xE  }
0x21: {  	s5 =	sadd.s32 @p0 $0x11B8D, s5;
	s6 =	sshll.u32 @p0 s4, $0x11  }
0x22: {  	s5 =	sor.u32 @p0 s6, s5  }
0x23: {  	[sflag:s5] =	ssyncadd.remote.s32 @p0 $0x1;
	_ =	sdelay $0x1  }
0x24: {  	s5 =	simm.s32 @p0 $0x1B8D  }
0x25: {  	_ =	swait.eq @p0 [sflag:s5], $0x1  }
0x26: {  	[sflag:s5] =	ssyncadd.s32 @p0 $0xFFFFFFFF  }
0x27: {  	s6 =	sshll.u32 @!p0 s1, $0xE  }
0x28: {  	s6 =	sor.u32 @!p0 $0x4000, s6;
	s5 =	simm.s32 @!p0 $0x1B8D  }
0x29: {  	s4 =	sshll.u32 @!p0 s4, $0x11;
	s6 =	sadd.s32 @!p0 $0x11B8D, s6;
	_ =	swait.eq @!p0 [sflag:s5], $0x1  }
0x2a: {  	s4 =	sor.u32 @!p0 s4, s6;
	[sflag:s5] =	ssyncadd.s32 @!p0 $0xFFFFFFFF  }
0x2b: {  	s26 =	simm.s32 $0x1B8E;
	s25 =	sld [smem:$0x3FFE];
	[sflag:s4] =	ssyncadd.remote.s32 @!p0 $0x1  }
0x2c: {  	s27 =	simm.s32 $execute0_lowered;
	[smem:$0x3FD2] =	sst s26  }
0x2d: {  	s5 =	sshll.u32 s27, $0x1;
	_ =	strace $0x8000004C;
	[dreg:$0x1] =	wrdreg $0xFFFFFFFF  }
0x2e: {  	s28 =	simm.s32 $_size_execute0_lowered;
	s3 =	sadd.s32 s3, s5;
	[dreg:$0x0] =	wrdreg $0x0  }
0x2f: {  	s5 =	sshll.u32 s28, $0x1;
	[dreg:$0x2] =	wrdreg s3  }
0x30: {  	[dreg:$0x3] =	wrdreg s5  }
0x31: {  	[dreg:$0x4] =	wrdreg $0xC0  }
0x32: {  	_ =	task [dreg:s23], $0x5FFFF  }
0x33: {  	[dreg:$0x1] =	wrdreg $0xFFFFFFFF  }
0x34: {  	[dreg:$0x0] =	wrdreg $0x60  }
0x35: {  	[dreg:$0x2] =	wrdreg s25  }
0x36: {  	[dreg:$0x3] =	wrdreg $0x9  }
0x37: {  	_ =	task.clear_ibuf [dreg:s23], $0x4FFFF;
	_ =	strace $0x9000004C  }
0x38: {  	s29 =	simm.s32 $0x9;
	_ =	strace $0x8000004E  }
0x39: {  	_ =	swait.ge [sflag:s29], $0x1  }
0x3a: {  	[sflag:s29] =	ssyncadd.s32 $0xFFFFFFFF  }
0x3b: {  	_ =	strace $0x9000004E  }
0x3c: {  	_ =	sfence  }
0x3d: {  	s30 =	sld [smem:$0x0];
	_ =	sdelay $0x2  }
0x3e: {  	s31 =	sshll.u32 s1, $0xD;
	s1 =	sshrl.u32 s1, $0x2  }
0x3f: {  	s4 =	sand.u32 $0x4000, s31;
	s1 =	sadd.s32 s1, s30  }
0x40: {  	s0 =	sor.u32 s4, s0;
	s1 =	sshll.u32 s1, $0x11  }
0x41: {  	s0 =	sor.u32 s1, s0  }
0x42: {  	s0 =	sadd.s32 $0x8F2B, s0  }
0x43: {  	[sflag:s0] =	ssyncadd.remote.s32 $0x1  }
0x44: {  	_ =	sfence.sel $0xFFFF  }
0x45: {  	[dreg:$0x0] =	wrdreg $0xFFFFFFFF;
	(pc) =	sbr.abs _section_cstart, $3  }
0x46: {  	[dreg:$0x1] =	wrdreg $0xFFFFFFFF  }
0x47: {  	_ =	task.clear_ibuf [dreg:s23], $0x2FFFF;
	_ =	strace $0x9FFFFFFF  }
0x48: {  	(tm) =	ssettm $0x7FFFFFFF  }
0x49: {  	_ =	shalt  }
tec
execute0_lowered:
.L_overlay_start_1:
0x0: {  	(tag) =	ssettag $0x1  }
0x1: {  	s1 =	rddreg [dreg:$0x0]  }
0x2: {  	s0 =	rddreg [dreg:$0x1];
	_ =	strace $0x8000004D  }
0x3: {  	s4 =	srdreg.scid;
	s6 =	simm.s32 $0x2;
	s11 =	simm.s32 $0x0  }
0x4: {  	p0 =	por $0x0, $0x0;
	s7 =	simm.s32 $0x1000;
	s12 =	simm.s32 $0x0  }
.Ltmp0:
0x5: {  	s9 =	simm.s32 $0x0;
	s8 =	simm.s32 $0x0;
	(pc) =	sbr.rel .LBB1_1-.Ltmp0, $4  }
0x6: {  	s2 =	sadd.s32 $0x246600, s1;
	s3 =	sadd.s32 $0x866600, s1;
	s5 =	sshll.u32 s4, $0x4  }
0x7: {  	s1 =	stileid.u32;
	s4 =	simm.s32 $0x1;
	s5 =	sand.u32 $0x10, s5  }
0x8: {  	s18 =	simm.s32 $0x0;
	[sflag:s4] =	ssyncpa.u1 $0x0;
	s5 =	sor.u32 s1, s5  }
0x9: {  	[sflag:s6] =	ssyncpa.u1 $0x0;
	s6 =	simm.s32 $0x800;
	s10 =	smov.u32 s5  }
.LBB1_7:
0xa: {  	s13 =	sadd.s32 $0x8, s9  }
0xb: {  	s11 =	sadd.s32 $0x20, s10;
	s15 =	smov.u32 s10;
	p2 =	sgt.s32 s13, $0xF  }
0xc: {  	p1 =	slt.u32 s8, $0x2;
	s15 =	smov.u32 @p2 s11  }
0xd: {  	s8 =	sadd.s32 $0x1, s8;
	s13 =	simm.s32 @p2 $0x0;
	p2 =	sgt.s32 s15, $0x1FF  }
0xe: {  	s15 =	smov.u32 @p2 s5;
	p2 =	sne.s32 s8, $0x22  }
.Ltmp1:
0xf: {  	_ = 	snop;
	(pc) =	sbr.rel @!p2 .LBB1_8-.Ltmp1, $4  }
0x10: {  	s14 =	simm.s32 @!p1 $0x2  }
0x11: {  	s12 =	smov.u32 s10;
	_ =	swait.ge @!p1 [sflag:s14], $0x4000  }
0x12: {  	p0 =	por !p0, !p0;
	s11 =	smov.u32 s9;
	[sflag:s14] =	ssyncset.done @!p1 $0x0  }
0x13: {  	s9 =	smov.u32 s13;
	[sflag:s14] =	ssyncadd.s32 @!p1 $0xFFFFC000;
	s10 =	smov.u32 s15  }
.LBB1_1:
0x14: {  	p1 =	sgt.u32 s8, $0x1F  }
0x15: {  	s13 =	sxor.u32 @!p1 $0xFFFFFFFF, s8;
	s14 =	sshll.u32 @!p1 s10, $0xC  }
0x16: {  	s15 =	sshll.u32 @!p1 s9, $0x8;
	s13 =	sshll.u32 @!p1 s13, $0xE;
	s14 =	sadd.s32 @!p1 s2, s14  }
0x17: {  	s13 =	sand.u32 @!p1 $0x4000, s13;
	s14 =	sadd.s32 @!p1 s15, s14;
	s15 =	simm.s32 @!p1 $0x0  }
0x18: {  	[tilespmem:s13], [sflag:$0x1] =	stream.linear.gather @!p1 [hbm4b:s14+s15], $0x4000, $0x38;
	[tilespmem:$0x10000] =	vst v63  }
0x19: {  	p1 =	seq.s32 s8, $0x0  }
0x1a: {  	p2 =	seq.s32 @!p1 s8, $0x21  }
0x1b: {  	p1 =	por p1, p2  }
.Ltmp2:
0x1c: {  	_ = 	snop;
	(pc) =	sbr.rel @p1 .LBB1_7-.Ltmp2, $1  }
0x1d: {  	_ =	sdelay $0x3  }
0x1e: {  	s13 =	simm.s32 $0x1  }
0x1f: {  	_ =	swait.ge [sflag:s4], $0x4000;
	s31 =	sshll.u32 s8, $0xE;
	p1 =	por $0x0, $0x0  }
0x20: {  	s19 =	simm.s32 $0x0;
	s20 =	simm.s32 $0x0;
	s13 =	simm.s32 @!p0 $0x0  }
0x21: {  	[sflag:s4] =	ssyncset.done $0x0;
	s16 =	sand.u32 $0x4000, s31;
	s13 =	sshll.u32 s13, $0x10  }
0x22: {  	[sflag:s4] =	ssyncadd.s32 $0xFFFFC000;
	s17 =	sshrl.u32 s13, $0x2;
	s13 =	sor.u32 $0x8000, s16  }
0x23: {  	s14 =	sor.u32 $0x40, s17;
	s15 =	sor.u32 $0x8410, s17;
	s17 =	sadd.s32 $0x8400, s17  }
.LBB1_3:
0x24: {  	v1 =	vld [tilespmem:s14+$0xFFFFFFD0]  }
0x25: {  	v2 =	vld [tilespmem:s14+$0x430]  }
0x26: {  	s21 =	sshll.u32 s20, $0xB;
	v4 =	vld [tilespmem:s14+$0xFFFFFFE0]  }
0x27: {  	v7 =	vld [tilespmem:s14+$0xFFFFFFF0];
	v0 =	vmov s21  }
0x28: {  	v8 =	vld [tilespmem:s14+$0x0]  }
0x29: {  	s30 =	sand.u32 $0x300, s18;
	v9 =	vld [tilespmem:s14+$0x10]  }
0x2a: {  	s22 =	sand.u32 $0x80, s18;
	v10 =	vld [tilespmem:s14+$0x20];
	s21 =	sadd.s32 s30, s16  }
0x2b: {  	v11 =	vld [tilespmem:s14+$0x30];
	s21 =	sadd.s32 s22, s21;
	s22 =	simm.s32 $0x1;
	[tilespmem:s15+$0x60] =	vst v2  }
0x2c: {  	s31 =	sshll.u32 s19, $0x2;
	s22 =	simm.s32 @!p1 $0x0;
	[tilespmem:s15+$0xFFFFFC00] =	vst v1;
	v3 =	vld.idx.msk [tilespmem:v0+s21+$0x400 ss:$0x1], $0xffff  }
0x2d: {  	v6 =	vld [tilespmem:s14+$0x3D0];
	s22 =	sshll.u32 s22, $0x9;
	[tilespmem:s15+$0xFFFFFC10] =	vst v4;
	s21 =	sand.u32 $0xFFFFFC00, s31  }
0x2e: {  	v5 =	vld [tilespmem:s14+$0x3E0];
	[tilespmem:s15+$0xFFFFFC20] =	vst v7;
	s21 =	sor.u32 s22, s21  }
0x2f: {  	[tilespmem:s15+$0xFFFFFC30] =	vst v8;
	v4 =	vld [tilespmem:s14+$0x400];
	s21 =	sshrl.u32 s21, $0x2  }
0x30: {  	[tilespmem:s15+$0xFFFFFC40] =	vst v9;
	v1 =	vld [tilespmem:s14+$0x410];
	s21 =	sadd.s32 s21, s17  }
0x31: {  	[tilespmem:s21+$0x0] =	vst v3;
	v3 =	vld [tilespmem:s14+$0x3F0]  }
0x32: {  	s25 =	simm.s32 $0x80;
	s24 =	simm.s32 $0x100;
	[tilespmem:s15+$0xFFFFFC50] =	vst v10;
	v2 =	vld [tilespmem:s14+$0x420]  }
0x33: {  	s23 =	smov.u32 s15;
	s26 =	sand.u32 $0x300, s25;
	v7 =	vld [tilespmem:s14+$0xFFFFFFC0];
	[tilespmem:s15+$0xFFFFFC60] =	vst v11;
	s22 =	sadd.s32 $0x80, s14  }
.LBB1_4:
0x34: {  	p2 =	sne.s32 s24, $0x380;
	v8 =	vld [tilespmem:s22+$0xFFFFFFD0];
	s25 =	sand.u32 $0x80, s25;
	s26 =	sadd.s32 s26, s16;
	[tilespmem:s23+$0x0] =	vst v6  }
0x35: {  	s26 =	sadd.s32 s25, s26;
	v6 =	vld [tilespmem:s22+$0x430];
	[tilespmem:s23+$0x10] =	vst v5;
	s25 =	smov.u32 s24  }
0x36: {  	v5 =	vld.idx.msk [tilespmem:v0+s26+$0x400 ss:$0x1], $0xffff;
	[tilespmem:s23+$0x20] =	vst v3  }
0x37: {  	v3 =	vld [tilespmem:s22+$0xFFFFFFE0];
	[tilespmem:s23+$0x30] =	vst v4  }
0x38: {  	v4 =	vld [tilespmem:s22+$0xFFFFFFF0];
	[tilespmem:s23+$0xFFFFFBF0] =	vst v7  }
0x39: {  	v7 =	vld [tilespmem:s22+$0x0];
	[tilespmem:s23+$0x40] =	vst v1  }
0x3a: {  	v1 =	vld [tilespmem:s22+$0x10];
	[tilespmem:s23+$0x50] =	vst v2;
	s23 =	sadd.s32 $0x800, s23  }
0x3b: {  	s21 =	sadd.s32 $0x800, s21;
	v2 =	vld [tilespmem:s22+$0x20];
	[tilespmem:s23+$0x60] =	vst v6  }
0x3c: {  	v9 =	vld [tilespmem:s22+$0x30];
	[tilespmem:s21+$0x0] =	vst v5  }
0x3d: {  	[tilespmem:s23+$0xFFFFFC00] =	vst v8;
	v6 =	vld [tilespmem:s22+$0x3D0]  }
0x3e: {  	[tilespmem:s23+$0xFFFFFC10] =	vst v3;
	v5 =	vld [tilespmem:s22+$0x3E0]  }
.Ltmp3:
0x3f: {  	[tilespmem:s23+$0xFFFFFC20] =	vst v4;
	v3 =	vld [tilespmem:s22+$0x3F0];
	(pc) =	sbr.rel @p2 .LBB1_4-.Ltmp3, $4  }
0x40: {  	[tilespmem:s23+$0xFFFFFC30] =	vst v7;
	v4 =	vld [tilespmem:s22+$0x400]  }
0x41: {  	[tilespmem:s23+$0xFFFFFC40] =	vst v1;
	v1 =	vld [tilespmem:s22+$0x410]  }
0x42: {  	[tilespmem:s23+$0xFFFFFC50] =	vst v2;
	v2 =	vld [tilespmem:s22+$0x420]  }
0x43: {  	s24 =	sadd.s32 $0x80, s24;
	s26 =	sand.u32 $0x300, s25;
	v7 =	vld [tilespmem:s22+$0xFFFFFFC0];
	[tilespmem:s23+$0xFFFFFC60] =	vst v9;
	s22 =	sadd.s32 $0x80, s22  }
0x44: {  	[tilespmem:s23+$0x0] =	vst v6  }
0x45: {  	[tilespmem:s23+$0x10] =	vst v5  }
0x46: {  	v49 =	vld [tilespmem:s22+$0x430];
	[tilespmem:s23+$0x20] =	vst v3  }
0x47: {  	v50 =	vld [tilespmem:s22+$0xFFFFFFD0];
	[tilespmem:s23+$0x30] =	vst v4  }
0x48: {  	v51 =	vld [tilespmem:s22+$0xFFFFFFE0];
	[tilespmem:s23+$0x40] =	vst v1  }
0x49: {  	v52 =	vld [tilespmem:s22+$0xFFFFFFF0];
	[tilespmem:s23+$0x50] =	vst v2  }
0x4a: {  	s31 =	sadd.s32 $0x800, s23;
	v53 =	vld [tilespmem:s22+$0x0];
	[tilespmem:s23+$0xFFFFFBF0] =	vst v7  }
0x4b: {  	v54 =	vld [tilespmem:s22+$0x10];
	[tilespmem:s31+$0x60] =	vst v49  }
0x4c: {  	v55 =	vld [tilespmem:s22+$0x20];
	[tilespmem:s31+$0xFFFFFC00] =	vst v50  }
0x4d: {  	v56 =	vld [tilespmem:s22+$0x30];
	[tilespmem:s31+$0xFFFFFC10] =	vst v51  }
0x4e: {  	v57 =	vld [tilespmem:s22+$0x3D0];
	[tilespmem:s31+$0xFFFFFC20] =	vst v52  }
0x4f: {  	v58 =	vld [tilespmem:s22+$0x3E0];
	[tilespmem:s31+$0xFFFFFC30] =	vst v53  }
0x50: {  	v59 =	vld [tilespmem:s22+$0x3F0];
	[tilespmem:s31+$0xFFFFFC40] =	vst v54  }
0x51: {  	v60 =	vld [tilespmem:s22+$0x400];
	[tilespmem:s31+$0xFFFFFC50] =	vst v55  }
0x52: {  	v61 =	vld [tilespmem:s22+$0xFFFFFFC0];
	[tilespmem:s31+$0xFFFFFC60] =	vst v56  }
0x53: {  	s24 =	sand.u32 $0x80, s25;
	s30 =	sadd.s32 s26, s16;
	v62 =	vld [tilespmem:s22+$0x410];
	[tilespmem:s31+$0x0] =	vst v57  }
0x54: {  	v63 =	vld [tilespmem:s22+$0x420];
	s20 =	sadd.s32 $0x1, s20;
	s24 =	sadd.s32 s24, s30;
	[tilespmem:s31+$0x10] =	vst v58  }
0x55: {  	p2 =	sne.s32 s20, $0x8;
	v0 =	vld.idx.msk [tilespmem:v0+s24+$0x400 ss:$0x1], $0xffff;
	[tilespmem:s31+$0x20] =	vst v59  }
.Ltmp4:
0x56: {  	[tilespmem:s31+$0x30] =	vst v60;
	(pc) =	sbr.rel @p2 .LBB1_3-.Ltmp4, $4  }
0x57: {  	[tilespmem:s31+$0xFFFFFBF0] =	vst v61  }
0x58: {  	[tilespmem:s31+$0x40] =	vst v62  }
0x59: {  	s21 =	sadd.s32 $0x800, s21;
	s14 =	sadd.s32 $0x800, s14;
	[tilespmem:s31+$0x50] =	vst v63  }
0x5a: {  	s19 =	sadd.s32 $0x80, s19;
	p1 =	por !p1, !p1;
	s15 =	sadd.s32 $0x80, s15;
	[tilespmem:s21+$0x0] =	vst v0  }
0x5b: {  	s14 =	sshll.u32 s11, $0x8;
	s31 =	sshll.u32 s11, $0x7  }
.Ltmp5:
0x5c: {  	s14 =	sand.u32 $0x800, s14;
	s11 =	sand.u32 $0x380, s31;
	(pc) =	sbr.rel .LBB1_7-.Ltmp5, $4  }
0x5d: {  	s12 =	sshll.u32 s12, $0xC;
	s11 =	sor.u32 s11, s14  }
0x5e: {  	s12 =	sadd.s32 s3, s12;
	s11 =	sshrl.u32 s11, $0x3  }
0x5f: {  	s11 =	sadd.s32 s11, s12  }
0x60: {  	[hbm4b:s11+s6] =	stream.strided.scatter [tilespmem:s13], [sflag:$0x2], $0x4000, s7, s6, $0x38;
	[tilespmem:$0x10000] =	vst v63  }
.LBB1_8:
0x61: {  	_ =	sfence.sel $0x180000  }
0x62: {  	s2 =	simm.s32 $0x1;
	[bflag:$0x0] =	sbarrier.arrive $0xFFFF  }
0x63: {  	s31 =	simm.s32 $0x2;
	[sflag:s2] =	ssyncpa.u1 $0x1  }
0x64: {  	[sflag:s31] =	ssyncpa.u1 $0x1  }
0x65: {  	p0 =	sne.s32 s1, $0x0;
	_ =	strace $0x9000004D  }
0x66: {  	s0 =	sadd.s32 @!p0 $0x100000, s0;
	[bflag:$0x2] =	sbarrier.arrive $0xFFFF  }
0x67: {  	[sflag:s0] =	ssyncadd.tile.s32 @!p0 $0x1;
	_ =	shalt  }
.Lfunc_end1:
_tile_overlayer_lowered:
.L_overlay_start_2:
0x68: {  	(tag) =	ssettag $0x2  }
0x69: {  	s0 =	rddreg [dreg:$0x0];
	s2 =	stileid.u32  }
0x6a: {  	s1 =	rddreg [dreg:$0x1];
	p0 =	sne.s32 s2, $0x0  }
0x6b: {  	s3 =	rddreg [dreg:$0x2];
	[bflag:$0x3] =	sbarrier.arrive $0xFFFF;
	s2 =	simm.s32 @!p0 $0x1C01  }
0x6c: {  	[timem:s3], [sflag:s2] =	dma.local @!p0 [hbm:s0], s1  }
0x6d: {  	s0 =	simm.s32 @!p0 $0x1  }
0x6e: {  	_ =	swait.ge @!p0 [sflag:s0], s1  }
0x6f: {  	s1 =	ssub.s32 @!p0 $0x0, s1;
	[sflag:s0] =	ssyncset.done @!p0 $0x0  }
0x70: {  	[sflag:s0] =	ssyncadd.s32 @!p0 s1  }
0x71: {  	[bflag:$0x3] =	sbarrier.arrive $0xFFFF  }
0x72: {  	_ =	shalt  }

</sc_bundles>
